<compile_context>
chip_gen: v7x
topology: tpu7x:2x2x1
jax: 0.10.2.dev20260603
libtpu: 0.0.44.dev20260713+nightly
codegen_flags: <defaults>
</compile_context>

<pallas_src>
import functools

import jax
import jax.numpy as jnp
from jax import lax
from jax.experimental import pallas as pl
from jax.experimental.pallas import tpu as pltpu
from jax.experimental.pallas import tpu_sc as plsc

N = 10000
E = 160000
D = 256
HD = D // 2

CH = 128
NSUB = 16
CHM = -(-E // (NSUB * CH))
EM = NSUB * CH * CHM
CHD = -(-E // (2 * NSUB * CH))
ED = 2 * NSUB * CH * CHD
NPAD = 10240
DEG_SH = NPAD // NSUB
ROWS_T = 632
NPAD2 = NSUB * ROWS_T
TAIL = N - 15 * ROWS_T

_mesh = plsc.VectorSubcoreMesh(core_axis_name="c", subcore_axis_name="s")


@functools.partial(
    pl.kernel,
    out_type=[jax.ShapeDtypeStruct((NPAD,), jnp.float32),
              jax.ShapeDtypeStruct((NPAD,), jnp.float32)],
    mesh=_mesh,
    scratch_types=[pltpu.VMEM((CHD, CH), jnp.int32),
                   pltpu.VMEM((CH,), jnp.float32),
                   pltpu.VMEM_SHARED((NPAD,), jnp.float32)],
)
def _deg_kernel(dst_hbm, zeros_hbm, ones_hbm, d0_hbm, d1_hbm,
                idx_v, ones_v, deg_sh):
    c = lax.axis_index("c")
    s = lax.axis_index("s")
    wid = c * NSUB + s
    pltpu.sync_copy(dst_hbm.at[wid], idx_v)
    pltpu.sync_copy(ones_hbm, ones_v)
    pltpu.sync_copy(zeros_hbm.at[pl.ds(s * DEG_SH, DEG_SH)],
                    deg_sh.at[pl.ds(s * DEG_SH, DEG_SH)])
    plsc.subcore_barrier()

    @pl.loop(0, CHD)
    def _(j):
        pltpu.sync_copy(ones_v, deg_sh.at[idx_v.at[j]], add=True)

    plsc.subcore_barrier()

    @pl.when(c == 0)
    def _():
        pltpu.sync_copy(deg_sh.at[pl.ds(s * DEG_SH, DEG_SH)],
                        d0_hbm.at[pl.ds(s * DEG_SH, DEG_SH)])

    @pl.when(c == 1)
    def _():
        pltpu.sync_copy(deg_sh.at[pl.ds(s * DEG_SH, DEG_SH)],
                        d1_hbm.at[pl.ds(s * DEG_SH, DEG_SH)])


@functools.partial(
    pl.kernel,
    out_type=[jax.ShapeDtypeStruct((N, HD), jnp.float32),
              jax.ShapeDtypeStruct((N, HD), jnp.float32)],
    mesh=_mesh,
    scratch_types=[pltpu.VMEM((CHM, CH), jnp.int32),
                   pltpu.VMEM((CHM, CH), jnp.int32),
                   pltpu.VMEM((CH, HD), jnp.float32),
                   pltpu.VMEM_SHARED((NPAD2, HD), jnp.float32)],
)
def _agg_kernel(g0_hbm, g1_hbm, src_hbm, dst_hbm, a0_hbm, a1_hbm,
                src_v, dst_v, buf, agg_sh):
    c = lax.axis_index("c")
    s = lax.axis_index("s")

    def run(g_hbm, out_hbm):
        @pl.when(s < 15)
        def _():
            pltpu.sync_copy(g_hbm.at[pl.ds(s * ROWS_T, ROWS_T)],
                            agg_sh.at[pl.ds(s * ROWS_T, ROWS_T)])

        @pl.when(s == 15)
        def _():
            pltpu.sync_copy(g_hbm.at[pl.ds(15 * ROWS_T, TAIL)],
                            agg_sh.at[pl.ds(15 * ROWS_T, TAIL)])

        plsc.subcore_barrier()

        pltpu.sync_copy(src_hbm.at[s], src_v)
        pltpu.sync_copy(dst_hbm.at[s], dst_v)

        @pl.loop(0, CHM)
        def _(j):
            pltpu.sync_copy(g_hbm.at[src_v.at[j]], buf)
            pltpu.sync_copy(buf, agg_sh.at[dst_v.at[j]], add=True)

        plsc.subcore_barrier()

        @pl.when(s < 15)
        def _():
            pltpu.sync_copy(agg_sh.at[pl.ds(s * ROWS_T, ROWS_T)],
                            out_hbm.at[pl.ds(s * ROWS_T, ROWS_T)])

        @pl.when(s == 15)
        def _():
            pltpu.sync_copy(agg_sh.at[pl.ds(15 * ROWS_T, TAIL)],
                            out_hbm.at[pl.ds(15 * ROWS_T, TAIL)])

    @pl.when(c == 0)
    def _():
        run(g0_hbm, a0_hbm)

    @pl.when(c == 1)
    def _():
        run(g1_hbm, a1_hbm)


BM = 1000


def _mm_body(x_ref, w_ref, d0_ref, d1_ref, g0_ref, g1_ref, dinv_ref):
    deg = d0_ref[...] + d1_ref[...] + 1.0
    dinv = lax.rsqrt(deg)
    h = jnp.dot(x_ref[...], w_ref[...], preferred_element_type=jnp.float32)
    g = h * dinv
    g0_ref[...] = g[:, :HD]
    g1_ref[...] = g[:, HD:]
    dinv_ref[...] = dinv


_mm_call = pl.pallas_call(
    _mm_body,
    grid=(N // BM,),
    in_specs=[pl.BlockSpec((BM, D), lambda i: (i, 0)),
              pl.BlockSpec((D, D), lambda i: (0, 0)),
              pl.BlockSpec((BM, 1), lambda i: (i, 0)),
              pl.BlockSpec((BM, 1), lambda i: (i, 0))],
    out_specs=[pl.BlockSpec((BM, HD), lambda i: (i, 0)),
               pl.BlockSpec((BM, HD), lambda i: (i, 0)),
               pl.BlockSpec((BM, 1), lambda i: (i, 0))],
    out_shape=[jax.ShapeDtypeStruct((N, HD), jnp.float32),
               jax.ShapeDtypeStruct((N, HD), jnp.float32),
               jax.ShapeDtypeStruct((N, 1), jnp.float32)],
)


NB = N // BM


def _bn_body(a0_ref, a1_ref, dinv_ref, b_ref, gamma_ref, beta_ref,
             out_ref, obuf, sums):
    p = pl.program_id(0)
    i = pl.program_id(1)

    @pl.when(p == 0)
    def _():
        o = jnp.concatenate([a0_ref[...], a1_ref[...]], axis=1)
        o = o * dinv_ref[...] + b_ref[...]
        obuf[i] = o
        ssum = jnp.sum(o, axis=0, keepdims=True)
        ssq = jnp.sum(o * o, axis=0, keepdims=True)

        @pl.when(i == 0)
        def _():
            sums[0:1] = ssum
            sums[1:2] = ssq

        @pl.when(i > 0)
        def _():
            sums[0:1] += ssum
            sums[1:2] += ssq

    @pl.when(p == 1)
    def _():
        mean = sums[0:1] * (1.0 / N)
        var = sums[1:2] * (1.0 / N) - mean * mean
        scale = gamma_ref[...] * lax.rsqrt(var + 1e-5)
        shift = beta_ref[...] - mean * scale
        out_ref[...] = jnp.maximum(obuf[i] * scale + shift, 0.0)


_bn_call = pl.pallas_call(
    _bn_body,
    grid=(2, NB),
    in_specs=[pl.BlockSpec((BM, HD), lambda p, i: (i, 0)),
              pl.BlockSpec((BM, HD), lambda p, i: (i, 0)),
              pl.BlockSpec((BM, 1), lambda p, i: (i, 0)),
              pl.BlockSpec((1, D), lambda p, i: (0, 0)),
              pl.BlockSpec((1, D), lambda p, i: (0, 0)),
              pl.BlockSpec((1, D), lambda p, i: (0, 0))],
    out_specs=pl.BlockSpec((BM, D), lambda p, i: (p * i, 0)),
    out_shape=jax.ShapeDtypeStruct((N, D), jnp.float32),
    scratch_shapes=[pltpu.VMEM((NB, BM, D), jnp.float32),
                    pltpu.VMEM((8, D), jnp.float32)],
)


def kernel(x, edge_index, W, b, gamma, beta):
    src = edge_index[0]
    dst = edge_index[1]

    src_m = jnp.concatenate(
        [src, jnp.zeros((EM - E,), jnp.int32)]).reshape(NSUB, CHM, CH)
    dst_m = jnp.concatenate(
        [dst, jnp.full((EM - E,), N, jnp.int32)]).reshape(NSUB, CHM, CH)
    dst_d = jnp.concatenate(
        [dst, jnp.full((ED - E,), N, jnp.int32)]).reshape(2 * NSUB, CHD, CH)

    zeros_np = jnp.zeros((NPAD,), jnp.float32)
    ones_ch = jnp.ones((CH,), jnp.float32)

    d0, d1 = _deg_kernel(dst_d, zeros_np, ones_ch)
    g0, g1, dinv = _mm_call(x, W, d0[:N].reshape(N, 1), d1[:N].reshape(N, 1))
    a0, a1 = _agg_kernel(g0, g1, src_m, dst_m)

    b2 = b.reshape(1, D)
    gamma2 = gamma.reshape(1, D)
    beta2 = beta.reshape(1, D)
    return _bn_call(a0, a1, dinv, b2, gamma2, beta2)

# --- scband reference (transcript-rebuilt; emitter-appended) ---
"""Pipeline reference for scband-spatial-graph-conv-9646496547015 (READ-ONLY COPY).

The authoritative reference and input builder live on the scoring server;
editing this copy changes nothing except your own understanding.
"""

import jax, jax.numpy as jnp
import numpy as np

N = 10000
E = 160000
D_IN = 256
D_OUT = 256


def setup_inputs(seed: int = 0) -> dict:
    key = jax.random.key(seed)
    k1, k2, k3 = jax.random.split(key, 3)
    x = jax.random.normal(k1, (N, D_IN), dtype=jnp.float32)
    edge_index = jax.random.randint(k2, (2, E), 0, N, dtype=jnp.int32)
    # GCNConv linear weight (glorot-ish init), bias zeros; BatchNorm affine params
    W = jax.random.normal(k3, (D_IN, D_OUT), dtype=jnp.float32) * (1.0 / np.sqrt(D_IN))
    b = jnp.zeros((D_OUT,), dtype=jnp.float32)
    gamma = jnp.ones((D_OUT,), dtype=jnp.float32)
    beta = jnp.zeros((D_OUT,), dtype=jnp.float32)
    return {"x": x, "edge_index": edge_index, "W": W, "b": b, "gamma": gamma, "beta": beta}


def reference(x, edge_index, W, b, gamma, beta):
    n = x.shape[0]
    # GCNConv: add self loops, symmetric normalization D^-1/2 (A+I) D^-1/2
    loop = jnp.arange(n, dtype=edge_index.dtype)
    src = jnp.concatenate([edge_index[0], loop])
    dst = jnp.concatenate([edge_index[1], loop])
    h = x @ W
    deg = jnp.zeros((n,), dtype=x.dtype).at[dst].add(1.0)
    dinv = jnp.where(deg > 0, jax.lax.rsqrt(deg), 0.0)
    norm = dinv[src] * dinv[dst]
    msg = h[src] * norm[:, None]
    out = jax.ops.segment_sum(msg, dst, num_segments=n) + b
    # BatchNorm1d (training-mode batch stats, eps=1e-5)
    mean = jnp.mean(out, axis=0)
    var = jnp.var(out, axis=0)
    out = gamma * (out - mean) * jax.lax.rsqrt(var + 1e-5) + beta
    # ReLU; dropout treated as identity (eval semantics for determinism)
    return jax.nn.relu(out)

if __name__ == "__main__":
    import jax
    _d = setup_inputs()
    print(jax.jit(kernel)(*tuple(_d.values())))

</pallas_src>

<mosaic_0001>
#map = affine_map<(d0, d1) -> (0, 0, 0)>
#map1 = affine_map<(d0, d1) -> (0)>
module attributes {stable_mosaic.version = 14 : i64} {
  func.func @_deg_kernel(%arg0: i32, %arg1: i32, %arg2: memref<32x40x128xi32, #tpu.memory_space<hbm>>, %arg3: memref<10240xf32, #tpu.memory_space<hbm>>, %arg4: memref<128xf32, #tpu.memory_space<hbm>>, %arg5: memref<10240xf32, #tpu.memory_space<hbm>>, %arg6: memref<10240xf32, #tpu.memory_space<hbm>>, %arg7: memref<40x128xi32, #tpu.memory_space<vmem>>, %arg8: memref<128xf32, #tpu.memory_space<vmem>>, %arg9: memref<10240xf32, #tpu.memory_space<vmem_shared>>) attributes {dimension_semantics = [#tpu.dimension_semantics<core_parallel>, #tpu.dimension_semantics<subcore_parallel>], iteration_bounds = array<i64: 2, 16>, scalar_prefetch = 0 : i64, scratch_operands = 3 : i64, tpu.core_type = #tpu.core_type<sc_vector_subcore>, window_params = [{transform_indices = #map}, {transform_indices = #map1}, {transform_indices = #map1}, {transform_indices = #map1}, {transform_indices = #map1}]} {
    %mul3A = arith.constant 16 : i32
    %mul3A_0 = arith.muli %arg0, %mul3A : i32
    %add3A = arith.addi %mul3A_0, %arg1 : i32
    "tpu.region"() ({
      %run_scoped3A = tpu.sem_alloc : memref<!tpu.dma_semaphore, #tpu.memory_space<semaphore_mem>>
      %dma_start3A = arith.constant 0 : i32
      %dma_start3A_17 = arith.constant 0 : i32
      %dma_start3A_18 = tpu.memref_slice %arg2[%add3A, %dma_start3A, %dma_start3A_17] : memref<32x40x128xi32, #tpu.memory_space<hbm>> -> memref<1x40x128xi32, #tpu.memory_space<hbm>>
      %dma_start3A_19 = tpu.memref_squeeze %dma_start3A_18 : memref<1x40x128xi32, #tpu.memory_space<hbm>> -> memref<40x128xi32, #tpu.memory_space<hbm>>
      %dma_start3A_20 = arith.constant 0 : i32
      %dma_start3A_21 = arith.constant 0 : i32
      %dma_start3A_22 = tpu.memref_slice %arg2[%add3A, %dma_start3A_20, %dma_start3A_21] : memref<32x40x128xi32, #tpu.memory_space<hbm>> -> memref<1x40x128xi32, #tpu.memory_space<hbm>>
      %dma_start3A_23 = tpu.memref_squeeze %dma_start3A_22 : memref<1x40x128xi32, #tpu.memory_space<hbm>> -> memref<40x128xi32, #tpu.memory_space<hbm>>
      tpu.enqueue_dma source(%dma_start3A_23 : memref<40x128xi32, #tpu.memory_space<hbm>>) target(%arg7 : memref<40x128xi32, #tpu.memory_space<vmem>>) target_semaphore(%run_scoped3A : memref<!tpu.dma_semaphore, #tpu.memory_space<semaphore_mem>>)
      %dma_wait3A = arith.constant 0 : i32
      %dma_wait3A_24 = arith.constant 0 : i32
      %dma_wait3A_25 = tpu.memref_slice %arg2[%add3A, %dma_wait3A, %dma_wait3A_24] : memref<32x40x128xi32, #tpu.memory_space<hbm>> -> memref<1x40x128xi32, #tpu.memory_space<hbm>>
      %dma_wait3A_26 = tpu.memref_squeeze %dma_wait3A_25 : memref<1x40x128xi32, #tpu.memory_space<hbm>> -> memref<40x128xi32, #tpu.memory_space<hbm>>
      %dma_wait3A_27 = arith.constant 0 : i32
      %dma_wait3A_28 = arith.constant 0 : i32
      %dma_wait3A_29 = tpu.memref_slice %arg2[%add3A, %dma_wait3A_27, %dma_wait3A_28] : memref<32x40x128xi32, #tpu.memory_space<hbm>> -> memref<1x40x128xi32, #tpu.memory_space<hbm>>
      %dma_wait3A_30 = tpu.memref_squeeze %dma_wait3A_29 : memref<1x40x128xi32, #tpu.memory_space<hbm>> -> memref<40x128xi32, #tpu.memory_space<hbm>>
      tpu.wait_dma2 semaphore(%run_scoped3A : memref<!tpu.dma_semaphore, #tpu.memory_space<semaphore_mem>>) src(%dma_wait3A_30 : memref<40x128xi32, #tpu.memory_space<hbm>>) dst(%arg7 : memref<40x128xi32, #tpu.memory_space<vmem>>)
      tpu.yield
    }) : () -> ()
    "tpu.region"() ({
      %run_scoped3A = tpu.sem_alloc : memref<!tpu.dma_semaphore, #tpu.memory_space<semaphore_mem>>
      tpu.enqueue_dma source(%arg4 : memref<128xf32, #tpu.memory_space<hbm>>) target(%arg8 : memref<128xf32, #tpu.memory_space<vmem>>) target_semaphore(%run_scoped3A : memref<!tpu.dma_semaphore, #tpu.memory_space<semaphore_mem>>)
      tpu.wait_dma2 semaphore(%run_scoped3A : memref<!tpu.dma_semaphore, #tpu.memory_space<semaphore_mem>>) src(%arg4 : memref<128xf32, #tpu.memory_space<hbm>>) dst(%arg8 : memref<128xf32, #tpu.memory_space<vmem>>)
      tpu.yield
    }) : () -> ()
    %mul3A_1 = arith.constant 640 : i32
    %mul3A_2 = arith.muli %arg1, %mul3A_1 : i32
    %mul3A_3 = arith.constant 640 : i32
    %mul3A_4 = arith.muli %arg1, %mul3A_3 : i32
    "tpu.region"() ({
      %run_scoped3A = tpu.sem_alloc : memref<!tpu.dma_semaphore, #tpu.memory_space<semaphore_mem>>
      %dma_start3A = tpu.memref_slice %arg9[%mul3A_4] : memref<10240xf32, #tpu.memory_space<vmem_shared>> -> memref<640xf32, #tpu.memory_space<vmem_shared>>
      %dma_start3A_17 = tpu.memref_slice %arg3[%mul3A_2] : memref<10240xf32, #tpu.memory_space<hbm>> -> memref<640xf32, #tpu.memory_space<hbm>>
      tpu.enqueue_dma source(%dma_start3A_17 : memref<640xf32, #tpu.memory_space<hbm>>) target(%dma_start3A : memref<640xf32, #tpu.memory_space<vmem_shared>>) target_semaphore(%run_scoped3A : memref<!tpu.dma_semaphore, #tpu.memory_space<semaphore_mem>>)
      %dma_wait3A = tpu.memref_slice %arg9[%mul3A_4] : memref<10240xf32, #tpu.memory_space<vmem_shared>> -> memref<640xf32, #tpu.memory_space<vmem_shared>>
      %dma_wait3A_18 = tpu.memref_slice %arg3[%mul3A_2] : memref<10240xf32, #tpu.memory_space<hbm>> -> memref<640xf32, #tpu.memory_space<hbm>>
      tpu.wait_dma2 semaphore(%run_scoped3A : memref<!tpu.dma_semaphore, #tpu.memory_space<semaphore_mem>>) src(%dma_wait3A_18 : memref<640xf32, #tpu.memory_space<hbm>>) dst(%dma_wait3A : memref<640xf32, #tpu.memory_space<vmem_shared>>)
      tpu.yield
    }) : () -> ()
    %barrier3A = arith.constant 0 : index
    tpu.barrier barrier_id(%barrier3A)
    %scan3A = arith.constant 0 : i32
    %scan3A_5 = arith.constant 40 : i32
    %scan3A_6 = arith.addi %scan3A, %scan3A_5 : i32
    %scan3A_7 = arith.constant 1 : i32
    scf.for %scan3A_17 = %scan3A to %scan3A_6 step %scan3A_7  : i32 {
      %mul3A_18 = arith.constant 1 : i32
      %mul3A_19 = arith.muli %scan3A_17, %mul3A_18 : i32
      %add3A_20 = arith.constant 0 : i32
      %add3A_21 = arith.addi %add3A_20, %mul3A_19 : i32
      "tpu.region"() ({
        %run_scoped3A = tpu.sem_alloc : memref<!tpu.dma_semaphore, #tpu.memory_space<semaphore_mem>>
        %dma_start3A = arith.constant 0 : i32
        %dma_start3A_22 = tpu.memref_slice %arg7[%add3A_21, %dma_start3A] : memref<40x128xi32, #tpu.memory_space<vmem>> -> memref<1x128xi32, #tpu.memory_space<vmem>>
        %dma_start3A_23 = tpu.memref_squeeze %dma_start3A_22 : memref<1x128xi32, #tpu.memory_space<vmem>> -> memref<128xi32, #tpu.memory_space<vmem>>
        %dma_start3A_24 = arith.constant 0 : i32
        %dma_start3A_25 = tpu.memref_slice %arg9[%dma_start3A_24] : memref<10240xf32, #tpu.memory_space<vmem_shared>> -> memref<10240xf32, #tpu.memory_space<vmem_shared>>
        tpu.enqueue_indirect_dma source(%arg8 : memref<128xf32, #tpu.memory_space<vmem>>) target(%dma_start3A_25 : memref<10240xf32, #tpu.memory_space<vmem_shared>>) offsets(%dma_start3A_23 : memref<128xi32, #tpu.memory_space<vmem>>) semaphore(%run_scoped3A : memref<!tpu.dma_semaphore, #tpu.memory_space<semaphore_mem>>) {add = true}
        %dma_wait3A = arith.constant 0 : i32
        %dma_wait3A_26 = tpu.memref_slice %arg7[%add3A_21, %dma_wait3A] : memref<40x128xi32, #tpu.memory_space<vmem>> -> memref<1x128xi32, #tpu.memory_space<vmem>>
        %dma_wait3A_27 = tpu.memref_squeeze %dma_wait3A_26 : memref<1x128xi32, #tpu.memory_space<vmem>> -> memref<128xi32, #tpu.memory_space<vmem>>
        %dma_wait3A_28 = arith.constant 0 : i32
        %dma_wait3A_29 = tpu.memref_slice %arg9[%dma_wait3A_28] : memref<10240xf32, #tpu.memory_space<vmem_shared>> -> memref<10240xf32, #tpu.memory_space<vmem_shared>>
        tpu.wait_indirect_dma semaphore(%run_scoped3A : memref<!tpu.dma_semaphore, #tpu.memory_space<semaphore_mem>>) src(%arg8 : memref<128xf32, #tpu.memory_space<vmem>>) dst(%dma_wait3A_29 : memref<10240xf32, #tpu.memory_space<vmem_shared>>)
        tpu.yield
      }) : () -> ()
    }
    %scan3A_8 = arith.constant 40 : i32
    %barrier3A_9 = arith.constant 0 : index
    tpu.barrier barrier_id(%barrier3A_9)
    %eq3A = arith.constant 0 : i32
    %eq3A_10 = arith.cmpi eq, %arg0, %eq3A : i32
    %convert_element_type3A = arith.extui %eq3A_10 : i1 to i32
    %cond3A = arith.constant 0 : i32
    %cond3A_11 = arith.cmpi ne, %convert_element_type3A, %cond3A : i32
    scf.if %cond3A_11 {
      %mul3A_17 = arith.constant 640 : i32
      %mul3A_18 = arith.muli %arg1, %mul3A_17 : i32
      %mul3A_19 = arith.constant 640 : i32
      %mul3A_20 = arith.muli %arg1, %mul3A_19 : i32
      "tpu.region"() ({
        %run_scoped3A = tpu.sem_alloc : memref<!tpu.dma_semaphore, #tpu.memory_space<semaphore_mem>>
        %dma_start3A = tpu.memref_slice %arg5[%mul3A_20] : memref<10240xf32, #tpu.memory_space<hbm>> -> memref<640xf32, #tpu.memory_space<hbm>>
        %dma_start3A_21 = tpu.memref_slice %arg9[%mul3A_18] : memref<10240xf32, #tpu.memory_space<vmem_shared>> -> memref<640xf32, #tpu.memory_space<vmem_shared>>
        tpu.enqueue_dma source(%dma_start3A_21 : memref<640xf32, #tpu.memory_space<vmem_shared>>) target(%dma_start3A : memref<640xf32, #tpu.memory_space<hbm>>) target_semaphore(%run_scoped3A : memref<!tpu.dma_semaphore, #tpu.memory_space<semaphore_mem>>)
        %dma_wait3A = tpu.memref_slice %arg5[%mul3A_20] : memref<10240xf32, #tpu.memory_space<hbm>> -> memref<640xf32, #tpu.memory_space<hbm>>
        %dma_wait3A_22 = tpu.memref_slice %arg9[%mul3A_18] : memref<10240xf32, #tpu.memory_space<vmem_shared>> -> memref<640xf32, #tpu.memory_space<vmem_shared>>
        tpu.wait_dma2 semaphore(%run_scoped3A : memref<!tpu.dma_semaphore, #tpu.memory_space<semaphore_mem>>) src(%dma_wait3A_22 : memref<640xf32, #tpu.memory_space<vmem_shared>>) dst(%dma_wait3A : memref<640xf32, #tpu.memory_space<hbm>>)
        tpu.yield
      }) : () -> ()
    } else {
    }
    %eq3A_12 = arith.constant 1 : i32
    %eq3A_13 = arith.cmpi eq, %arg0, %eq3A_12 : i32
    %convert_element_type3A_14 = arith.extui %eq3A_13 : i1 to i32
    %cond3A_15 = arith.constant 0 : i32
    %cond3A_16 = arith.cmpi ne, %convert_element_type3A_14, %cond3A_15 : i32
    scf.if %cond3A_16 {
      %mul3A_17 = arith.constant 640 : i32
      %mul3A_18 = arith.muli %arg1, %mul3A_17 : i32
      %mul3A_19 = arith.constant 640 : i32
      %mul3A_20 = arith.muli %arg1, %mul3A_19 : i32
      "tpu.region"() ({
        %run_scoped3A = tpu.sem_alloc : memref<!tpu.dma_semaphore, #tpu.memory_space<semaphore_mem>>
        %dma_start3A = tpu.memref_slice %arg6[%mul3A_20] : memref<10240xf32, #tpu.memory_space<hbm>> -> memref<640xf32, #tpu.memory_space<hbm>>
        %dma_start3A_21 = tpu.memref_slice %arg9[%mul3A_18] : memref<10240xf32, #tpu.memory_space<vmem_shared>> -> memref<640xf32, #tpu.memory_space<vmem_shared>>
        tpu.enqueue_dma source(%dma_start3A_21 : memref<640xf32, #tpu.memory_space<vmem_shared>>) target(%dma_start3A : memref<640xf32, #tpu.memory_space<hbm>>) target_semaphore(%run_scoped3A : memref<!tpu.dma_semaphore, #tpu.memory_space<semaphore_mem>>)
        %dma_wait3A = tpu.memref_slice %arg6[%mul3A_20] : memref<10240xf32, #tpu.memory_space<hbm>> -> memref<640xf32, #tpu.memory_space<hbm>>
        %dma_wait3A_22 = tpu.memref_slice %arg9[%mul3A_18] : memref<10240xf32, #tpu.memory_space<vmem_shared>> -> memref<640xf32, #tpu.memory_space<vmem_shared>>
        tpu.wait_dma2 semaphore(%run_scoped3A : memref<!tpu.dma_semaphore, #tpu.memory_space<semaphore_mem>>) src(%dma_wait3A_22 : memref<640xf32, #tpu.memory_space<vmem_shared>>) dst(%dma_wait3A : memref<640xf32, #tpu.memory_space<hbm>>)
        tpu.yield
      }) : () -> ()
    } else {
    }
    return
  }
}

#map = affine_map<(d0, d1) -> (0, 0)>
#map1 = affine_map<(d0, d1) -> (0, 0, 0)>
module attributes {stable_mosaic.version = 14 : i64} {
  func.func @_agg_kernel(%arg0: i32, %arg1: i32, %arg2: memref<10000x128xf32, #tpu.memory_space<hbm>>, %arg3: memref<10000x128xf32, #tpu.memory_space<hbm>>, %arg4: memref<16x79x128xi32, #tpu.memory_space<hbm>>, %arg5: memref<16x79x128xi32, #tpu.memory_space<hbm>>, %arg6: memref<10000x128xf32, #tpu.memory_space<hbm>>, %arg7: memref<10000x128xf32, #tpu.memory_space<hbm>>, %arg8: memref<79x128xi32, #tpu.memory_space<vmem>>, %arg9: memref<79x128xi32, #tpu.memory_space<vmem>>, %arg10: memref<128x128xf32, #tpu.memory_space<vmem>>, %arg11: memref<10112x128xf32, #tpu.memory_space<vmem_shared>>) attributes {dimension_semantics = [#tpu.dimension_semantics<core_parallel>, #tpu.dimension_semantics<subcore_parallel>], iteration_bounds = array<i64: 2, 16>, scalar_prefetch = 0 : i64, scratch_operands = 4 : i64, tpu.core_type = #tpu.core_type<sc_vector_subcore>, window_params = [{transform_indices = #map}, {transform_indices = #map}, {transform_indices = #map1}, {transform_indices = #map1}, {transform_indices = #map}, {transform_indices = #map}]} {
    %eq3A = arith.constant 0 : i32
    %eq3A_0 = arith.cmpi eq, %arg0, %eq3A : i32
    %convert_element_type3A = arith.extui %eq3A_0 : i1 to i32
    %cond3A = arith.constant 0 : i32
    %cond3A_1 = arith.cmpi ne, %convert_element_type3A, %cond3A : i32
    scf.if %cond3A_1 {
      %lt3A = arith.constant 15 : i32
      %lt3A_7 = arith.cmpi slt, %arg1, %lt3A : i32
      %convert_element_type3A_8 = arith.extui %lt3A_7 : i1 to i32
      %cond3A_9 = arith.constant 0 : i32
      %cond3A_10 = arith.cmpi ne, %convert_element_type3A_8, %cond3A_9 : i32
      scf.if %cond3A_10 {
        %mul3A = arith.constant 632 : i32
        %mul3A_31 = arith.muli %arg1, %mul3A : i32
        %mul3A_32 = arith.constant 632 : i32
        %mul3A_33 = arith.muli %arg1, %mul3A_32 : i32
        "tpu.region"() ({
          %run_scoped3A = tpu.sem_alloc : memref<!tpu.dma_semaphore, #tpu.memory_space<semaphore_mem>>
          %dma_start3A = arith.constant 0 : i32
          %dma_start3A_34 = tpu.memref_slice %arg11[%mul3A_33, %dma_start3A] : memref<10112x128xf32, #tpu.memory_space<vmem_shared>> -> memref<632x128xf32, #tpu.memory_space<vmem_shared>>
          %dma_start3A_35 = arith.constant 0 : i32
          %dma_start3A_36 = tpu.memref_slice %arg2[%mul3A_31, %dma_start3A_35] : memref<10000x128xf32, #tpu.memory_space<hbm>> -> memref<632x128xf32, #tpu.memory_space<hbm>>
          tpu.enqueue_dma source(%dma_start3A_36 : memref<632x128xf32, #tpu.memory_space<hbm>>) target(%dma_start3A_34 : memref<632x128xf32, #tpu.memory_space<vmem_shared>>) target_semaphore(%run_scoped3A : memref<!tpu.dma_semaphore, #tpu.memory_space<semaphore_mem>>)
          %dma_wait3A = arith.constant 0 : i32
          %dma_wait3A_37 = tpu.memref_slice %arg11[%mul3A_33, %dma_wait3A] : memref<10112x128xf32, #tpu.memory_space<vmem_shared>> -> memref<632x128xf32, #tpu.memory_space<vmem_shared>>
          %dma_wait3A_38 = arith.constant 0 : i32
          %dma_wait3A_39 = tpu.memref_slice %arg2[%mul3A_31, %dma_wait3A_38] : memref<10000x128xf32, #tpu.memory_space<hbm>> -> memref<632x128xf32, #tpu.memory_space<hbm>>
          tpu.wait_dma2 semaphore(%run_scoped3A : memref<!tpu.dma_semaphore, #tpu.memory_space<semaphore_mem>>) src(%dma_wait3A_39 : memref<632x128xf32, #tpu.memory_space<hbm>>) dst(%dma_wait3A_37 : memref<632x128xf32, #tpu.memory_space<vmem_shared>>)
          tpu.yield
        }) : () -> ()
      } else {
      }
      %eq3A_11 = arith.constant 15 : i32
      %eq3A_12 = arith.cmpi eq, %arg1, %eq3A_11 : i32
      %convert_element_type3A_13 = arith.extui %eq3A_12 : i1 to i32
      %cond3A_14 = arith.constant 0 : i32
      %cond3A_15 = arith.cmpi ne, %convert_element_type3A_13, %cond3A_14 : i32
      scf.if %cond3A_15 {
        "tpu.region"() ({
          %run_scoped3A = tpu.sem_alloc : memref<!tpu.dma_semaphore, #tpu.memory_space<semaphore_mem>>
          %dma_start3A = arith.constant 9480 : i32
          %dma_start3A_31 = arith.constant 0 : i32
          %dma_start3A_32 = tpu.memref_slice %arg11[%dma_start3A, %dma_start3A_31] : memref<10112x128xf32, #tpu.memory_space<vmem_shared>> -> memref<520x128xf32, #tpu.memory_space<vmem_shared>>
          %dma_start3A_33 = arith.constant 9480 : i32
          %dma_start3A_34 = arith.constant 0 : i32
          %dma_start3A_35 = tpu.memref_slice %arg2[%dma_start3A_33, %dma_start3A_34] : memref<10000x128xf32, #tpu.memory_space<hbm>> -> memref<520x128xf32, #tpu.memory_space<hbm>>
          tpu.enqueue_dma source(%dma_start3A_35 : memref<520x128xf32, #tpu.memory_space<hbm>>) target(%dma_start3A_32 : memref<520x128xf32, #tpu.memory_space<vmem_shared>>) target_semaphore(%run_scoped3A : memref<!tpu.dma_semaphore, #tpu.memory_space<semaphore_mem>>)
          %dma_wait3A = arith.constant 9480 : i32
          %dma_wait3A_36 = arith.constant 0 : i32
          %dma_wait3A_37 = tpu.memref_slice %arg11[%dma_wait3A, %dma_wait3A_36] : memref<10112x128xf32, #tpu.memory_space<vmem_shared>> -> memref<520x128xf32, #tpu.memory_space<vmem_shared>>
          %dma_wait3A_38 = arith.constant 9480 : i32
          %dma_wait3A_39 = arith.constant 0 : i32
          %dma_wait3A_40 = tpu.memref_slice %arg2[%dma_wait3A_38, %dma_wait3A_39] : memref<10000x128xf32, #tpu.memory_space<hbm>> -> memref<520x128xf32, #tpu.memory_space<hbm>>
          tpu.wait_dma2 semaphore(%run_scoped3A : memref<!tpu.dma_semaphore, #tpu.memory_space<semaphore_mem>>) src(%dma_wait3A_40 : memref<520x128xf32, #tpu.memory_space<hbm>>) dst(%dma_wait3A_37 : memref<520x128xf32, #tpu.memory_space<vmem_shared>>)
          tpu.yield
        }) : () -> ()
      } else {
      }
      %barrier3A = arith.constant 0 : index
      tpu.barrier barrier_id(%barrier3A)
      "tpu.region"() ({
        %run_scoped3A = tpu.sem_alloc : memref<!tpu.dma_semaphore, #tpu.memory_space<semaphore_mem>>
        %dma_start3A = arith.constant 0 : i32
        %dma_start3A_31 = arith.constant 0 : i32
        %dma_start3A_32 = tpu.memref_slice %arg4[%arg1, %dma_start3A, %dma_start3A_31] : memref<16x79x128xi32, #tpu.memory_space<hbm>> -> memref<1x79x128xi32, #tpu.memory_space<hbm>>
        %dma_start3A_33 = tpu.memref_squeeze %dma_start3A_32 : memref<1x79x128xi32, #tpu.memory_space<hbm>> -> memref<79x128xi32, #tpu.memory_space<hbm>>
        %dma_start3A_34 = arith.constant 0 : i32
        %dma_start3A_35 = arith.constant 0 : i32
        %dma_start3A_36 = tpu.memref_slice %arg4[%arg1, %dma_start3A_34, %dma_start3A_35] : memref<16x79x128xi32, #tpu.memory_space<hbm>> -> memref<1x79x128xi32, #tpu.memory_space<hbm>>
        %dma_start3A_37 = tpu.memref_squeeze %dma_start3A_36 : memref<1x79x128xi32, #tpu.memory_space<hbm>> -> memref<79x128xi32, #tpu.memory_space<hbm>>
        tpu.enqueue_dma source(%dma_start3A_37 : memref<79x128xi32, #tpu.memory_space<hbm>>) target(%arg8 : memref<79x128xi32, #tpu.memory_space<vmem>>) target_semaphore(%run_scoped3A : memref<!tpu.dma_semaphore, #tpu.memory_space<semaphore_mem>>)
        %dma_wait3A = arith.constant 0 : i32
        %dma_wait3A_38 = arith.constant 0 : i32
        %dma_wait3A_39 = tpu.memref_slice %arg4[%arg1, %dma_wait3A, %dma_wait3A_38] : memref<16x79x128xi32, #tpu.memory_space<hbm>> -> memref<1x79x128xi32, #tpu.memory_space<hbm>>
        %dma_wait3A_40 = tpu.memref_squeeze %dma_wait3A_39 : memref<1x79x128xi32, #tpu.memory_space<hbm>> -> memref<79x128xi32, #tpu.memory_space<hbm>>
        %dma_wait3A_41 = arith.constant 0 : i32
        %dma_wait3A_42 = arith.constant 0 : i32
        %dma_wait3A_43 = tpu.memref_slice %arg4[%arg1, %dma_wait3A_41, %dma_wait3A_42] : memref<16x79x128xi32, #tpu.memory_space<hbm>> -> memref<1x79x128xi32, #tpu.memory_space<hbm>>
        %dma_wait3A_44 = tpu.memref_squeeze %dma_wait3A_43 : memref<1x79x128xi32, #tpu.memory_space<hbm>> -> memref<79x128xi32, #tpu.memory_space<hbm>>
        tpu.wait_dma2 semaphore(%run_scoped3A : memref<!tpu.dma_semaphore, #tpu.memory_space<semaphore_mem>>) src(%dma_wait3A_44 : memref<79x128xi32, #tpu.memory_space<hbm>>) dst(%arg8 : memref<79x128xi32, #tpu.memory_space<vmem>>)
        tpu.yield
      }) : () -> ()
      "tpu.region"() ({
        %run_scoped3A = tpu.sem_alloc : memref<!tpu.dma_semaphore, #tpu.memory_space<semaphore_mem>>
        %dma_start3A = arith.constant 0 : i32
        %dma_start3A_31 = arith.constant 0 : i32
        %dma_start3A_32 = tpu.memref_slice %arg5[%arg1, %dma_start3A, %dma_start3A_31] : memref<16x79x128xi32, #tpu.memory_space<hbm>> -> memref<1x79x128xi32, #tpu.memory_space<hbm>>
        %dma_start3A_33 = tpu.memref_squeeze %dma_start3A_32 : memref<1x79x128xi32, #tpu.memory_space<hbm>> -> memref<79x128xi32, #tpu.memory_space<hbm>>
        %dma_start3A_34 = arith.constant 0 : i32
        %dma_start3A_35 = arith.constant 0 : i32
        %dma_start3A_36 = tpu.memref_slice %arg5[%arg1, %dma_start3A_34, %dma_start3A_35] : memref<16x79x128xi32, #tpu.memory_space<hbm>> -> memref<1x79x128xi32, #tpu.memory_space<hbm>>
        %dma_start3A_37 = tpu.memref_squeeze %dma_start3A_36 : memref<1x79x128xi32, #tpu.memory_space<hbm>> -> memref<79x128xi32, #tpu.memory_space<hbm>>
        tpu.enqueue_dma source(%dma_start3A_37 : memref<79x128xi32, #tpu.memory_space<hbm>>) target(%arg9 : memref<79x128xi32, #tpu.memory_space<vmem>>) target_semaphore(%run_scoped3A : memref<!tpu.dma_semaphore, #tpu.memory_space<semaphore_mem>>)
        %dma_wait3A = arith.constant 0 : i32
        %dma_wait3A_38 = arith.constant 0 : i32
        %dma_wait3A_39 = tpu.memref_slice %arg5[%arg1, %dma_wait3A, %dma_wait3A_38] : memref<16x79x128xi32, #tpu.memory_space<hbm>> -> memref<1x79x128xi32, #tpu.memory_space<hbm>>
        %dma_wait3A_40 = tpu.memref_squeeze %dma_wait3A_39 : memref<1x79x128xi32, #tpu.memory_space<hbm>> -> memref<79x128xi32, #tpu.memory_space<hbm>>
        %dma_wait3A_41 = arith.constant 0 : i32
        %dma_wait3A_42 = arith.constant 0 : i32
        %dma_wait3A_43 = tpu.memref_slice %arg5[%arg1, %dma_wait3A_41, %dma_wait3A_42] : memref<16x79x128xi32, #tpu.memory_space<hbm>> -> memref<1x79x128xi32, #tpu.memory_space<hbm>>
        %dma_wait3A_44 = tpu.memref_squeeze %dma_wait3A_43 : memref<1x79x128xi32, #tpu.memory_space<hbm>> -> memref<79x128xi32, #tpu.memory_space<hbm>>
        tpu.wait_dma2 semaphore(%run_scoped3A : memref<!tpu.dma_semaphore, #tpu.memory_space<semaphore_mem>>) src(%dma_wait3A_44 : memref<79x128xi32, #tpu.memory_space<hbm>>) dst(%arg9 : memref<79x128xi32, #tpu.memory_space<vmem>>)
        tpu.yield
      }) : () -> ()
      %scan3A = arith.constant 0 : i32
      %scan3A_16 = arith.constant 79 : i32
      %scan3A_17 = arith.addi %scan3A, %scan3A_16 : i32
      %scan3A_18 = arith.constant 1 : i32
      scf.for %scan3A_31 = %scan3A to %scan3A_17 step %scan3A_18  : i32 {
        %mul3A = arith.constant 1 : i32
        %mul3A_32 = arith.muli %scan3A_31, %mul3A : i32
        %add3A = arith.constant 0 : i32
        %add3A_33 = arith.addi %add3A, %mul3A_32 : i32
        "tpu.region"() ({
          %run_scoped3A = tpu.sem_alloc : memref<!tpu.dma_semaphore, #tpu.memory_space<semaphore_mem>>
          %dma_start3A = arith.constant 0 : i32
          %dma_start3A_34 = tpu.memref_slice %arg8[%add3A_33, %dma_start3A] : memref<79x128xi32, #tpu.memory_space<vmem>> -> memref<1x128xi32, #tpu.memory_space<vmem>>
          %dma_start3A_35 = tpu.memref_squeeze %dma_start3A_34 : memref<1x128xi32, #tpu.memory_space<vmem>> -> memref<128xi32, #tpu.memory_space<vmem>>
          %dma_start3A_36 = arith.constant 0 : i32
          %dma_start3A_37 = arith.constant 0 : i32
          %dma_start3A_38 = tpu.memref_slice %arg2[%dma_start3A_36, %dma_start3A_37] : memref<10000x128xf32, #tpu.memory_space<hbm>> -> memref<10000x128xf32, #tpu.memory_space<hbm>>
          tpu.enqueue_indirect_dma source(%dma_start3A_38 : memref<10000x128xf32, #tpu.memory_space<hbm>>) target(%arg10 : memref<128x128xf32, #tpu.memory_space<vmem>>) offsets(%dma_start3A_35 : memref<128xi32, #tpu.memory_space<vmem>>) semaphore(%run_scoped3A : memref<!tpu.dma_semaphore, #tpu.memory_space<semaphore_mem>>)
          %dma_wait3A = arith.constant 0 : i32
          %dma_wait3A_39 = tpu.memref_slice %arg8[%add3A_33, %dma_wait3A] : memref<79x128xi32, #tpu.memory_space<vmem>> -> memref<1x128xi32, #tpu.memory_space<vmem>>
          %dma_wait3A_40 = tpu.memref_squeeze %dma_wait3A_39 : memref<1x128xi32, #tpu.memory_space<vmem>> -> memref<128xi32, #tpu.memory_space<vmem>>
          %dma_wait3A_41 = arith.constant 0 : i32
          %dma_wait3A_42 = arith.constant 0 : i32
          %dma_wait3A_43 = tpu.memref_slice %arg2[%dma_wait3A_41, %dma_wait3A_42] : memref<10000x128xf32, #tpu.memory_space<hbm>> -> memref<10000x128xf32, #tpu.memory_space<hbm>>
          tpu.wait_indirect_dma semaphore(%run_scoped3A : memref<!tpu.dma_semaphore, #tpu.memory_space<semaphore_mem>>) src(%dma_wait3A_43 : memref<10000x128xf32, #tpu.memory_space<hbm>>) dst(%arg10 : memref<128x128xf32, #tpu.memory_space<vmem>>)
          tpu.yield
        }) : () -> ()
        "tpu.region"() ({
          %run_scoped3A = tpu.sem_alloc : memref<!tpu.dma_semaphore, #tpu.memory_space<semaphore_mem>>
          %dma_start3A = arith.constant 0 : i32
          %dma_start3A_34 = tpu.memref_slice %arg9[%add3A_33, %dma_start3A] : memref<79x128xi32, #tpu.memory_space<vmem>> -> memref<1x128xi32, #tpu.memory_space<vmem>>
          %dma_start3A_35 = tpu.memref_squeeze %dma_start3A_34 : memref<1x128xi32, #tpu.memory_space<vmem>> -> memref<128xi32, #tpu.memory_space<vmem>>
          %dma_start3A_36 = arith.constant 0 : i32
          %dma_start3A_37 = arith.constant 0 : i32
          %dma_start3A_38 = tpu.memref_slice %arg11[%dma_start3A_36, %dma_start3A_37] : memref<10112x128xf32, #tpu.memory_space<vmem_shared>> -> memref<10112x128xf32, #tpu.memory_space<vmem_shared>>
          tpu.enqueue_indirect_dma source(%arg10 : memref<128x128xf32, #tpu.memory_space<vmem>>) target(%dma_start3A_38 : memref<10112x128xf32, #tpu.memory_space<vmem_shared>>) offsets(%dma_start3A_35 : memref<128xi32, #tpu.memory_space<vmem>>) semaphore(%run_scoped3A : memref<!tpu.dma_semaphore, #tpu.memory_space<semaphore_mem>>) {add = true}
          %dma_wait3A = arith.constant 0 : i32
          %dma_wait3A_39 = tpu.memref_slice %arg9[%add3A_33, %dma_wait3A] : memref<79x128xi32, #tpu.memory_space<vmem>> -> memref<1x128xi32, #tpu.memory_space<vmem>>
          %dma_wait3A_40 = tpu.memref_squeeze %dma_wait3A_39 : memref<1x128xi32, #tpu.memory_space<vmem>> -> memref<128xi32, #tpu.memory_space<vmem>>
          %dma_wait3A_41 = arith.constant 0 : i32
          %dma_wait3A_42 = arith.constant 0 : i32
          %dma_wait3A_43 = tpu.memref_slice %arg11[%dma_wait3A_41, %dma_wait3A_42] : memref<10112x128xf32, #tpu.memory_space<vmem_shared>> -> memref<10112x128xf32, #tpu.memory_space<vmem_shared>>
          tpu.wait_indirect_dma semaphore(%run_scoped3A : memref<!tpu.dma_semaphore, #tpu.memory_space<semaphore_mem>>) src(%arg10 : memref<128x128xf32, #tpu.memory_space<vmem>>) dst(%dma_wait3A_43 : memref<10112x128xf32, #tpu.memory_space<vmem_shared>>)
          tpu.yield
        }) : () -> ()
      }
      %scan3A_19 = arith.constant 79 : i32
      %barrier3A_20 = arith.constant 0 : index
      tpu.barrier barrier_id(%barrier3A_20)
      %lt3A_21 = arith.constant 15 : i32
      %lt3A_22 = arith.cmpi slt, %arg1, %lt3A_21 : i32
      %convert_element_type3A_23 = arith.extui %lt3A_22 : i1 to i32
      %cond3A_24 = arith.constant 0 : i32
      %cond3A_25 = arith.cmpi ne, %convert_element_type3A_23, %cond3A_24 : i32
      scf.if %cond3A_25 {
        %mul3A = arith.constant 632 : i32
        %mul3A_31 = arith.muli %arg1, %mul3A : i32
        %mul3A_32 = arith.constant 632 : i32
        %mul3A_33 = arith.muli %arg1, %mul3A_32 : i32
        "tpu.region"() ({
          %run_scoped3A = tpu.sem_alloc : memref<!tpu.dma_semaphore, #tpu.memory_space<semaphore_mem>>
          %dma_start3A = arith.constant 0 : i32
          %dma_start3A_34 = tpu.memref_slice %arg6[%mul3A_33, %dma_start3A] : memref<10000x128xf32, #tpu.memory_space<hbm>> -> memref<632x128xf32, #tpu.memory_space<hbm>>
          %dma_start3A_35 = arith.constant 0 : i32
          %dma_start3A_36 = tpu.memref_slice %arg11[%mul3A_31, %dma_start3A_35] : memref<10112x128xf32, #tpu.memory_space<vmem_shared>> -> memref<632x128xf32, #tpu.memory_space<vmem_shared>>
          tpu.enqueue_dma source(%dma_start3A_36 : memref<632x128xf32, #tpu.memory_space<vmem_shared>>) target(%dma_start3A_34 : memref<632x128xf32, #tpu.memory_space<hbm>>) target_semaphore(%run_scoped3A : memref<!tpu.dma_semaphore, #tpu.memory_space<semaphore_mem>>)
          %dma_wait3A = arith.constant 0 : i32
          %dma_wait3A_37 = tpu.memref_slice %arg6[%mul3A_33, %dma_wait3A] : memref<10000x128xf32, #tpu.memory_space<hbm>> -> memref<632x128xf32, #tpu.memory_space<hbm>>
          %dma_wait3A_38 = arith.constant 0 : i32
          %dma_wait3A_39 = tpu.memref_slice %arg11[%mul3A_31, %dma_wait3A_38] : memref<10112x128xf32, #tpu.memory_space<vmem_shared>> -> memref<632x128xf32, #tpu.memory_space<vmem_shared>>
          tpu.wait_dma2 semaphore(%run_scoped3A : memref<!tpu.dma_semaphore, #tpu.memory_space<semaphore_mem>>) src(%dma_wait3A_39 : memref<632x128xf32, #tpu.memory_space<vmem_shared>>) dst(%dma_wait3A_37 : memref<632x128xf32, #tpu.memory_space<hbm>>)
          tpu.yield
        }) : () -> ()
      } else {
      }
      %eq3A_26 = arith.constant 15 : i32
      %eq3A_27 = arith.cmpi eq, %arg1, %eq3A_26 : i32
      %convert_element_type3A_28 = arith.extui %eq3A_27 : i1 to i32
      %cond3A_29 = arith.constant 0 : i32
      %cond3A_30 = arith.cmpi ne, %convert_element_type3A_28, %cond3A_29 : i32
      scf.if %cond3A_30 {
        "tpu.region"() ({
          %run_scoped3A = tpu.sem_alloc : memref<!tpu.dma_semaphore, #tpu.memory_space<semaphore_mem>>
          %dma_start3A = arith.constant 9480 : i32
          %dma_start3A_31 = arith.constant 0 : i32
          %dma_start3A_32 = tpu.memref_slice %arg6[%dma_start3A, %dma_start3A_31] : memref<10000x128xf32, #tpu.memory_space<hbm>> -> memref<520x128xf32, #tpu.memory_space<hbm>>
          %dma_start3A_33 = arith.constant 9480 : i32
          %dma_start3A_34 = arith.constant 0 : i32
          %dma_start3A_35 = tpu.memref_slice %arg11[%dma_start3A_33, %dma_start3A_34] : memref<10112x128xf32, #tpu.memory_space<vmem_shared>> -> memref<520x128xf32, #tpu.memory_space<vmem_shared>>
          tpu.enqueue_dma source(%dma_start3A_35 : memref<520x128xf32, #tpu.memory_space<vmem_shared>>) target(%dma_start3A_32 : memref<520x128xf32, #tpu.memory_space<hbm>>) target_semaphore(%run_scoped3A : memref<!tpu.dma_semaphore, #tpu.memory_space<semaphore_mem>>)
          %dma_wait3A = arith.constant 9480 : i32
          %dma_wait3A_36 = arith.constant 0 : i32
          %dma_wait3A_37 = tpu.memref_slice %arg6[%dma_wait3A, %dma_wait3A_36] : memref<10000x128xf32, #tpu.memory_space<hbm>> -> memref<520x128xf32, #tpu.memory_space<hbm>>
          %dma_wait3A_38 = arith.constant 9480 : i32
          %dma_wait3A_39 = arith.constant 0 : i32
          %dma_wait3A_40 = tpu.memref_slice %arg11[%dma_wait3A_38, %dma_wait3A_39] : memref<10112x128xf32, #tpu.memory_space<vmem_shared>> -> memref<520x128xf32, #tpu.memory_space<vmem_shared>>
          tpu.wait_dma2 semaphore(%run_scoped3A : memref<!tpu.dma_semaphore, #tpu.memory_space<semaphore_mem>>) src(%dma_wait3A_40 : memref<520x128xf32, #tpu.memory_space<vmem_shared>>) dst(%dma_wait3A_37 : memref<520x128xf32, #tpu.memory_space<hbm>>)
          tpu.yield
        }) : () -> ()
      } else {
      }
    } else {
    }
    %eq3A_2 = arith.constant 1 : i32
    %eq3A_3 = arith.cmpi eq, %arg0, %eq3A_2 : i32
    %convert_element_type3A_4 = arith.extui %eq3A_3 : i1 to i32
    %cond3A_5 = arith.constant 0 : i32
    %cond3A_6 = arith.cmpi ne, %convert_element_type3A_4, %cond3A_5 : i32
    scf.if %cond3A_6 {
      %lt3A = arith.constant 15 : i32
      %lt3A_7 = arith.cmpi slt, %arg1, %lt3A : i32
      %convert_element_type3A_8 = arith.extui %lt3A_7 : i1 to i32
      %cond3A_9 = arith.constant 0 : i32
      %cond3A_10 = arith.cmpi ne, %convert_element_type3A_8, %cond3A_9 : i32
      scf.if %cond3A_10 {
        %mul3A = arith.constant 632 : i32
        %mul3A_31 = arith.muli %arg1, %mul3A : i32
        %mul3A_32 = arith.constant 632 : i32
        %mul3A_33 = arith.muli %arg1, %mul3A_32 : i32
        "tpu.region"() ({
          %run_scoped3A = tpu.sem_alloc : memref<!tpu.dma_semaphore, #tpu.memory_space<semaphore_mem>>
          %dma_start3A = arith.constant 0 : i32
          %dma_start3A_34 = tpu.memref_slice %arg11[%mul3A_33, %dma_start3A] : memref<10112x128xf32, #tpu.memory_space<vmem_shared>> -> memref<632x128xf32, #tpu.memory_space<vmem_shared>>
          %dma_start3A_35 = arith.constant 0 : i32
          %dma_start3A_36 = tpu.memref_slice %arg3[%mul3A_31, %dma_start3A_35] : memref<10000x128xf32, #tpu.memory_space<hbm>> -> memref<632x128xf32, #tpu.memory_space<hbm>>
          tpu.enqueue_dma source(%dma_start3A_36 : memref<632x128xf32, #tpu.memory_space<hbm>>) target(%dma_start3A_34 : memref<632x128xf32, #tpu.memory_space<vmem_shared>>) target_semaphore(%run_scoped3A : memref<!tpu.dma_semaphore, #tpu.memory_space<semaphore_mem>>)
          %dma_wait3A = arith.constant 0 : i32
          %dma_wait3A_37 = tpu.memref_slice %arg11[%mul3A_33, %dma_wait3A] : memref<10112x128xf32, #tpu.memory_space<vmem_shared>> -> memref<632x128xf32, #tpu.memory_space<vmem_shared>>
          %dma_wait3A_38 = arith.constant 0 : i32
          %dma_wait3A_39 = tpu.memref_slice %arg3[%mul3A_31, %dma_wait3A_38] : memref<10000x128xf32, #tpu.memory_space<hbm>> -> memref<632x128xf32, #tpu.memory_space<hbm>>
          tpu.wait_dma2 semaphore(%run_scoped3A : memref<!tpu.dma_semaphore, #tpu.memory_space<semaphore_mem>>) src(%dma_wait3A_39 : memref<632x128xf32, #tpu.memory_space<hbm>>) dst(%dma_wait3A_37 : memref<632x128xf32, #tpu.memory_space<vmem_shared>>)
          tpu.yield
        }) : () -> ()
      } else {
      }
      %eq3A_11 = arith.constant 15 : i32
      %eq3A_12 = arith.cmpi eq, %arg1, %eq3A_11 : i32
      %convert_element_type3A_13 = arith.extui %eq3A_12 : i1 to i32
      %cond3A_14 = arith.constant 0 : i32
      %cond3A_15 = arith.cmpi ne, %convert_element_type3A_13, %cond3A_14 : i32
      scf.if %cond3A_15 {
        "tpu.region"() ({
          %run_scoped3A = tpu.sem_alloc : memref<!tpu.dma_semaphore, #tpu.memory_space<semaphore_mem>>
          %dma_start3A = arith.constant 9480 : i32
          %dma_start3A_31 = arith.constant 0 : i32
          %dma_start3A_32 = tpu.memref_slice %arg11[%dma_start3A, %dma_start3A_31] : memref<10112x128xf32, #tpu.memory_space<vmem_shared>> -> memref<520x128xf32, #tpu.memory_space<vmem_shared>>
          %dma_start3A_33 = arith.constant 9480 : i32
          %dma_start3A_34 = arith.constant 0 : i32
          %dma_start3A_35 = tpu.memref_slice %arg3[%dma_start3A_33, %dma_start3A_34] : memref<10000x128xf32, #tpu.memory_space<hbm>> -> memref<520x128xf32, #tpu.memory_space<hbm>>
          tpu.enqueue_dma source(%dma_start3A_35 : memref<520x128xf32, #tpu.memory_space<hbm>>) target(%dma_start3A_32 : memref<520x128xf32, #tpu.memory_space<vmem_shared>>) target_semaphore(%run_scoped3A : memref<!tpu.dma_semaphore, #tpu.memory_space<semaphore_mem>>)
          %dma_wait3A = arith.constant 9480 : i32
          %dma_wait3A_36 = arith.constant 0 : i32
          %dma_wait3A_37 = tpu.memref_slice %arg11[%dma_wait3A, %dma_wait3A_36] : memref<10112x128xf32, #tpu.memory_space<vmem_shared>> -> memref<520x128xf32, #tpu.memory_space<vmem_shared>>
          %dma_wait3A_38 = arith.constant 9480 : i32
          %dma_wait3A_39 = arith.constant 0 : i32
          %dma_wait3A_40 = tpu.memref_slice %arg3[%dma_wait3A_38, %dma_wait3A_39] : memref<10000x128xf32, #tpu.memory_space<hbm>> -> memref<520x128xf32, #tpu.memory_space<hbm>>
          tpu.wait_dma2 semaphore(%run_scoped3A : memref<!tpu.dma_semaphore, #tpu.memory_space<semaphore_mem>>) src(%dma_wait3A_40 : memref<520x128xf32, #tpu.memory_space<hbm>>) dst(%dma_wait3A_37 : memref<520x128xf32, #tpu.memory_space<vmem_shared>>)
          tpu.yield
        }) : () -> ()
      } else {
      }
      %barrier3A = arith.constant 0 : index
      tpu.barrier barrier_id(%barrier3A)
      "tpu.region"() ({
        %run_scoped3A = tpu.sem_alloc : memref<!tpu.dma_semaphore, #tpu.memory_space<semaphore_mem>>
        %dma_start3A = arith.constant 0 : i32
        %dma_start3A_31 = arith.constant 0 : i32
        %dma_start3A_32 = tpu.memref_slice %arg4[%arg1, %dma_start3A, %dma_start3A_31] : memref<16x79x128xi32, #tpu.memory_space<hbm>> -> memref<1x79x128xi32, #tpu.memory_space<hbm>>
        %dma_start3A_33 = tpu.memref_squeeze %dma_start3A_32 : memref<1x79x128xi32, #tpu.memory_space<hbm>> -> memref<79x128xi32, #tpu.memory_space<hbm>>
        %dma_start3A_34 = arith.constant 0 : i32
        %dma_start3A_35 = arith.constant 0 : i32
        %dma_start3A_36 = tpu.memref_slice %arg4[%arg1, %dma_start3A_34, %dma_start3A_35] : memref<16x79x128xi32, #tpu.memory_space<hbm>> -> memref<1x79x128xi32, #tpu.memory_space<hbm>>
        %dma_start3A_37 = tpu.memref_squeeze %dma_start3A_36 : memref<1x79x128xi32, #tpu.memory_space<hbm>> -> memref<79x128xi32, #tpu.memory_space<hbm>>
        tpu.enqueue_dma source(%dma_start3A_37 : memref<79x128xi32, #tpu.memory_space<hbm>>) target(%arg8 : memref<79x128xi32, #tpu.memory_space<vmem>>) target_semaphore(%run_scoped3A : memref<!tpu.dma_semaphore, #tpu.memory_space<semaphore_mem>>)
        %dma_wait3A = arith.constant 0 : i32
        %dma_wait3A_38 = arith.constant 0 : i32
        %dma_wait3A_39 = tpu.memref_slice %arg4[%arg1, %dma_wait3A, %dma_wait3A_38] : memref<16x79x128xi32, #tpu.memory_space<hbm>> -> memref<1x79x128xi32, #tpu.memory_space<hbm>>
        %dma_wait3A_40 = tpu.memref_squeeze %dma_wait3A_39 : memref<1x79x128xi32, #tpu.memory_space<hbm>> -> memref<79x128xi32, #tpu.memory_space<hbm>>
        %dma_wait3A_41 = arith.constant 0 : i32
        %dma_wait3A_42 = arith.constant 0 : i32
        %dma_wait3A_43 = tpu.memref_slice %arg4[%arg1, %dma_wait3A_41, %dma_wait3A_42] : memref<16x79x128xi32, #tpu.memory_space<hbm>> -> memref<1x79x128xi32, #tpu.memory_space<hbm>>
        %dma_wait3A_44 = tpu.memref_squeeze %dma_wait3A_43 : memref<1x79x128xi32, #tpu.memory_space<hbm>> -> memref<79x128xi32, #tpu.memory_space<hbm>>
        tpu.wait_dma2 semaphore(%run_scoped3A : memref<!tpu.dma_semaphore, #tpu.memory_space<semaphore_mem>>) src(%dma_wait3A_44 : memref<79x128xi32, #tpu.memory_space<hbm>>) dst(%arg8 : memref<79x128xi32, #tpu.memory_space<vmem>>)
        tpu.yield
      }) : () -> ()
      "tpu.region"() ({
        %run_scoped3A = tpu.sem_alloc : memref<!tpu.dma_semaphore, #tpu.memory_space<semaphore_mem>>
        %dma_start3A = arith.constant 0 : i32
        %dma_start3A_31 = arith.constant 0 : i32
        %dma_start3A_32 = tpu.memref_slice %arg5[%arg1, %dma_start3A, %dma_start3A_31] : memref<16x79x128xi32, #tpu.memory_space<hbm>> -> memref<1x79x128xi32, #tpu.memory_space<hbm>>
        %dma_start3A_33 = tpu.memref_squeeze %dma_start3A_32 : memref<1x79x128xi32, #tpu.memory_space<hbm>> -> memref<79x128xi32, #tpu.memory_space<hbm>>
        %dma_start3A_34 = arith.constant 0 : i32
        %dma_start3A_35 = arith.constant 0 : i32
        %dma_start3A_36 = tpu.memref_slice %arg5[%arg1, %dma_start3A_34, %dma_start3A_35] : memref<16x79x128xi32, #tpu.memory_space<hbm>> -> memref<1x79x128xi32, #tpu.memory_space<hbm>>
        %dma_start3A_37 = tpu.memref_squeeze %dma_start3A_36 : memref<1x79x128xi32, #tpu.memory_space<hbm>> -> memref<79x128xi32, #tpu.memory_space<hbm>>
        tpu.enqueue_dma source(%dma_start3A_37 : memref<79x128xi32, #tpu.memory_space<hbm>>) target(%arg9 : memref<79x128xi32, #tpu.memory_space<vmem>>) target_semaphore(%run_scoped3A : memref<!tpu.dma_semaphore, #tpu.memory_space<semaphore_mem>>)
        %dma_wait3A = arith.constant 0 : i32
        %dma_wait3A_38 = arith.constant 0 : i32
        %dma_wait3A_39 = tpu.memref_slice %arg5[%arg1, %dma_wait3A, %dma_wait3A_38] : memref<16x79x128xi32, #tpu.memory_space<hbm>> -> memref<1x79x128xi32, #tpu.memory_space<hbm>>
        %dma_wait3A_40 = tpu.memref_squeeze %dma_wait3A_39 : memref<1x79x128xi32, #tpu.memory_space<hbm>> -> memref<79x128xi32, #tpu.memory_space<hbm>>
        %dma_wait3A_41 = arith.constant 0 : i32
        %dma_wait3A_42 = arith.constant 0 : i32
        %dma_wait3A_43 = tpu.memref_slice %arg5[%arg1, %dma_wait3A_41, %dma_wait3A_42] : memref<16x79x128xi32, #tpu.memory_space<hbm>> -> memref<1x79x128xi32, #tpu.memory_space<hbm>>
        %dma_wait3A_44 = tpu.memref_squeeze %dma_wait3A_43 : memref<1x79x128xi32, #tpu.memory_space<hbm>> -> memref<79x128xi32, #tpu.memory_space<hbm>>
        tpu.wait_dma2 semaphore(%run_scoped3A : memref<!tpu.dma_semaphore, #tpu.memory_space<semaphore_mem>>) src(%dma_wait3A_44 : memref<79x128xi32, #tpu.memory_space<hbm>>) dst(%arg9 : memref<79x128xi32, #tpu.memory_space<vmem>>)
        tpu.yield
      }) : () -> ()
      %scan3A = arith.constant 0 : i32
      %scan3A_16 = arith.constant 79 : i32
      %scan3A_17 = arith.addi %scan3A, %scan3A_16 : i32
      %scan3A_18 = arith.constant 1 : i32
      scf.for %scan3A_31 = %scan3A to %scan3A_17 step %scan3A_18  : i32 {
        %mul3A = arith.constant 1 : i32
        %mul3A_32 = arith.muli %scan3A_31, %mul3A : i32
        %add3A = arith.constant 0 : i32
        %add3A_33 = arith.addi %add3A, %mul3A_32 : i32
        "tpu.region"() ({
          %run_scoped3A = tpu.sem_alloc : memref<!tpu.dma_semaphore, #tpu.memory_space<semaphore_mem>>
          %dma_start3A = arith.constant 0 : i32
          %dma_start3A_34 = tpu.memref_slice %arg8[%add3A_33, %dma_start3A] : memref<79x128xi32, #tpu.memory_space<vmem>> -> memref<1x128xi32, #tpu.memory_space<vmem>>
          %dma_start3A_35 = tpu.memref_squeeze %dma_start3A_34 : memref<1x128xi32, #tpu.memory_space<vmem>> -> memref<128xi32, #tpu.memory_space<vmem>>
          %dma_start3A_36 = arith.constant 0 : i32
          %dma_start3A_37 = arith.constant 0 : i32
          %dma_start3A_38 = tpu.memref_slice %arg3[%dma_start3A_36, %dma_start3A_37] : memref<10000x128xf32, #tpu.memory_space<hbm>> -> memref<10000x128xf32, #tpu.memory_space<hbm>>
          tpu.enqueue_indirect_dma source(%dma_start3A_38 : memref<10000x128xf32, #tpu.memory_space<hbm>>) target(%arg10 : memref<128x128xf32, #tpu.memory_space<vmem>>) offsets(%dma_start3A_35 : memref<128xi32, #tpu.memory_space<vmem>>) semaphore(%run_scoped3A : memref<!tpu.dma_semaphore, #tpu.memory_space<semaphore_mem>>)
          %dma_wait3A = arith.constant 0 : i32
          %dma_wait3A_39 = tpu.memref_slice %arg8[%add3A_33, %dma_wait3A] : memref<79x128xi32, #tpu.memory_space<vmem>> -> memref<1x128xi32, #tpu.memory_space<vmem>>
          %dma_wait3A_40 = tpu.memref_squeeze %dma_wait3A_39 : memref<1x128xi32, #tpu.memory_space<vmem>> -> memref<128xi32, #tpu.memory_space<vmem>>
          %dma_wait3A_41 = arith.constant 0 : i32
          %dma_wait3A_42 = arith.constant 0 : i32
          %dma_wait3A_43 = tpu.memref_slice %arg3[%dma_wait3A_41, %dma_wait3A_42] : memref<10000x128xf32, #tpu.memory_space<hbm>> -> memref<10000x128xf32, #tpu.memory_space<hbm>>
          tpu.wait_indirect_dma semaphore(%run_scoped3A : memref<!tpu.dma_semaphore, #tpu.memory_space<semaphore_mem>>) src(%dma_wait3A_43 : memref<10000x128xf32, #tpu.memory_space<hbm>>) dst(%arg10 : memref<128x128xf32, #tpu.memory_space<vmem>>)
          tpu.yield
        }) : () -> ()
        "tpu.region"() ({
          %run_scoped3A = tpu.sem_alloc : memref<!tpu.dma_semaphore, #tpu.memory_space<semaphore_mem>>
          %dma_start3A = arith.constant 0 : i32
          %dma_start3A_34 = tpu.memref_slice %arg9[%add3A_33, %dma_start3A] : memref<79x128xi32, #tpu.memory_space<vmem>> -> memref<1x128xi32, #tpu.memory_space<vmem>>
          %dma_start3A_35 = tpu.memref_squeeze %dma_start3A_34 : memref<1x128xi32, #tpu.memory_space<vmem>> -> memref<128xi32, #tpu.memory_space<vmem>>
          %dma_start3A_36 = arith.constant 0 : i32
          %dma_start3A_37 = arith.constant 0 : i32
          %dma_start3A_38 = tpu.memref_slice %arg11[%dma_start3A_36, %dma_start3A_37] : memref<10112x128xf32, #tpu.memory_space<vmem_shared>> -> memref<10112x128xf32, #tpu.memory_space<vmem_shared>>
          tpu.enqueue_indirect_dma source(%arg10 : memref<128x128xf32, #tpu.memory_space<vmem>>) target(%dma_start3A_38 : memref<10112x128xf32, #tpu.memory_space<vmem_shared>>) offsets(%dma_start3A_35 : memref<128xi32, #tpu.memory_space<vmem>>) semaphore(%run_scoped3A : memref<!tpu.dma_semaphore, #tpu.memory_space<semaphore_mem>>) {add = true}
          %dma_wait3A = arith.constant 0 : i32
          %dma_wait3A_39 = tpu.memref_slice %arg9[%add3A_33, %dma_wait3A] : memref<79x128xi32, #tpu.memory_space<vmem>> -> memref<1x128xi32, #tpu.memory_space<vmem>>
          %dma_wait3A_40 = tpu.memref_squeeze %dma_wait3A_39 : memref<1x128xi32, #tpu.memory_space<vmem>> -> memref<128xi32, #tpu.memory_space<vmem>>
          %dma_wait3A_41 = arith.constant 0 : i32
          %dma_wait3A_42 = arith.constant 0 : i32
          %dma_wait3A_43 = tpu.memref_slice %arg11[%dma_wait3A_41, %dma_wait3A_42] : memref<10112x128xf32, #tpu.memory_space<vmem_shared>> -> memref<10112x128xf32, #tpu.memory_space<vmem_shared>>
          tpu.wait_indirect_dma semaphore(%run_scoped3A : memref<!tpu.dma_semaphore, #tpu.memory_space<semaphore_mem>>) src(%arg10 : memref<128x128xf32, #tpu.memory_space<vmem>>) dst(%dma_wait3A_43 : memref<10112x128xf32, #tpu.memory_space<vmem_shared>>)
          tpu.yield
        }) : () -> ()
      }
      %scan3A_19 = arith.constant 79 : i32
      %barrier3A_20 = arith.constant 0 : index
      tpu.barrier barrier_id(%barrier3A_20)
      %lt3A_21 = arith.constant 15 : i32
      %lt3A_22 = arith.cmpi slt, %arg1, %lt3A_21 : i32
      %convert_element_type3A_23 = arith.extui %lt3A_22 : i1 to i32
      %cond3A_24 = arith.constant 0 : i32
      %cond3A_25 = arith.cmpi ne, %convert_element_type3A_23, %cond3A_24 : i32
      scf.if %cond3A_25 {
        %mul3A = arith.constant 632 : i32
        %mul3A_31 = arith.muli %arg1, %mul3A : i32
        %mul3A_32 = arith.constant 632 : i32
        %mul3A_33 = arith.muli %arg1, %mul3A_32 : i32
        "tpu.region"() ({
          %run_scoped3A = tpu.sem_alloc : memref<!tpu.dma_semaphore, #tpu.memory_space<semaphore_mem>>
          %dma_start3A = arith.constant 0 : i32
          %dma_start3A_34 = tpu.memref_slice %arg7[%mul3A_33, %dma_start3A] : memref<10000x128xf32, #tpu.memory_space<hbm>> -> memref<632x128xf32, #tpu.memory_space<hbm>>
          %dma_start3A_35 = arith.constant 0 : i32
          %dma_start3A_36 = tpu.memref_slice %arg11[%mul3A_31, %dma_start3A_35] : memref<10112x128xf32, #tpu.memory_space<vmem_shared>> -> memref<632x128xf32, #tpu.memory_space<vmem_shared>>
          tpu.enqueue_dma source(%dma_start3A_36 : memref<632x128xf32, #tpu.memory_space<vmem_shared>>) target(%dma_start3A_34 : memref<632x128xf32, #tpu.memory_space<hbm>>) target_semaphore(%run_scoped3A : memref<!tpu.dma_semaphore, #tpu.memory_space<semaphore_mem>>)
          %dma_wait3A = arith.constant 0 : i32
          %dma_wait3A_37 = tpu.memref_slice %arg7[%mul3A_33, %dma_wait3A] : memref<10000x128xf32, #tpu.memory_space<hbm>> -> memref<632x128xf32, #tpu.memory_space<hbm>>
          %dma_wait3A_38 = arith.constant 0 : i32
          %dma_wait3A_39 = tpu.memref_slice %arg11[%mul3A_31, %dma_wait3A_38] : memref<10112x128xf32, #tpu.memory_space<vmem_shared>> -> memref<632x128xf32, #tpu.memory_space<vmem_shared>>
          tpu.wait_dma2 semaphore(%run_scoped3A : memref<!tpu.dma_semaphore, #tpu.memory_space<semaphore_mem>>) src(%dma_wait3A_39 : memref<632x128xf32, #tpu.memory_space<vmem_shared>>) dst(%dma_wait3A_37 : memref<632x128xf32, #tpu.memory_space<hbm>>)
          tpu.yield
        }) : () -> ()
      } else {
      }
      %eq3A_26 = arith.constant 15 : i32
      %eq3A_27 = arith.cmpi eq, %arg1, %eq3A_26 : i32
      %convert_element_type3A_28 = arith.extui %eq3A_27 : i1 to i32
      %cond3A_29 = arith.constant 0 : i32
      %cond3A_30 = arith.cmpi ne, %convert_element_type3A_28, %cond3A_29 : i32
      scf.if %cond3A_30 {
        "tpu.region"() ({
          %run_scoped3A = tpu.sem_alloc : memref<!tpu.dma_semaphore, #tpu.memory_space<semaphore_mem>>
          %dma_start3A = arith.constant 9480 : i32
          %dma_start3A_31 = arith.constant 0 : i32
          %dma_start3A_32 = tpu.memref_slice %arg7[%dma_start3A, %dma_start3A_31] : memref<10000x128xf32, #tpu.memory_space<hbm>> -> memref<520x128xf32, #tpu.memory_space<hbm>>
          %dma_start3A_33 = arith.constant 9480 : i32
          %dma_start3A_34 = arith.constant 0 : i32
          %dma_start3A_35 = tpu.memref_slice %arg11[%dma_start3A_33, %dma_start3A_34] : memref<10112x128xf32, #tpu.memory_space<vmem_shared>> -> memref<520x128xf32, #tpu.memory_space<vmem_shared>>
          tpu.enqueue_dma source(%dma_start3A_35 : memref<520x128xf32, #tpu.memory_space<vmem_shared>>) target(%dma_start3A_32 : memref<520x128xf32, #tpu.memory_space<hbm>>) target_semaphore(%run_scoped3A : memref<!tpu.dma_semaphore, #tpu.memory_space<semaphore_mem>>)
          %dma_wait3A = arith.constant 9480 : i32
          %dma_wait3A_36 = arith.constant 0 : i32
          %dma_wait3A_37 = tpu.memref_slice %arg7[%dma_wait3A, %dma_wait3A_36] : memref<10000x128xf32, #tpu.memory_space<hbm>> -> memref<520x128xf32, #tpu.memory_space<hbm>>
          %dma_wait3A_38 = arith.constant 9480 : i32
          %dma_wait3A_39 = arith.constant 0 : i32
          %dma_wait3A_40 = tpu.memref_slice %arg11[%dma_wait3A_38, %dma_wait3A_39] : memref<10112x128xf32, #tpu.memory_space<vmem_shared>> -> memref<520x128xf32, #tpu.memory_space<vmem_shared>>
          tpu.wait_dma2 semaphore(%run_scoped3A : memref<!tpu.dma_semaphore, #tpu.memory_space<semaphore_mem>>) src(%dma_wait3A_40 : memref<520x128xf32, #tpu.memory_space<vmem_shared>>) dst(%dma_wait3A_37 : memref<520x128xf32, #tpu.memory_space<hbm>>)
          tpu.yield
        }) : () -> ()
      } else {
      }
    } else {
    }
    return
  }
}

module attributes {stable_mosaic.version = 14 : i64} {
  func.func @_mm_body(%arg0: i32, %arg1: memref<1000x256xf32, #tpu.memory_space<vmem>>, %arg2: memref<256x256xf32, #tpu.memory_space<vmem>>, %arg3: memref<1000x1xf32, #tpu.memory_space<vmem>>, %arg4: memref<1000x1xf32, #tpu.memory_space<vmem>>, %arg5: memref<1000x128xf32, #tpu.memory_space<vmem>>, %arg6: memref<1000x128xf32, #tpu.memory_space<vmem>>, %arg7: memref<1000x1xf32, #tpu.memory_space<vmem>>) attributes {dimension_semantics = [#tpu.dimension_semantics<arbitrary>], iteration_bounds = array<i64: 10>, scalar_prefetch = 0 : i64, scratch_operands = 0 : i64, tpu.core_type = #tpu.core_type<tc>, window_params = [{transform_indices = @transform_0, window_bounds = array<i64: 1000, 256>}, {pipeline_mode = #tpu.pipeline_mode<synchronous>, transform_indices = @transform_1, window_bounds = array<i64: 256, 256>}, {transform_indices = @transform_2, window_bounds = array<i64: 1000, 1>}, {transform_indices = @transform_3, window_bounds = array<i64: 1000, 1>}, {transform_indices = @transform_4, window_bounds = array<i64: 1000, 128>}, {transform_indices = @transform_5, window_bounds = array<i64: 1000, 128>}, {transform_indices = @transform_6, window_bounds = array<i64: 1000, 1>}]} {
    %get3A = arith.constant 0 : index
    %get3A_0 = arith.constant 0 : index
    %get3A_1 = vector.load %arg3[%get3A, %get3A_0] : memref<1000x1xf32, #tpu.memory_space<vmem>>, vector<1000x1xf32>
    %get3A_2 = arith.constant 0 : index
    %get3A_3 = arith.constant 0 : index
    %get3A_4 = vector.load %arg4[%get3A_2, %get3A_3] : memref<1000x1xf32, #tpu.memory_space<vmem>>, vector<1000x1xf32>
    %add3A = arith.addf %get3A_1, %get3A_4 : vector<1000x1xf32>
    %add3A_5 = arith.constant 1.000000e+00 : f32
    %add3A_6 = vector.broadcast %add3A_5 : f32 to vector<1000x1xf32>
    %add3A_7 = arith.addf %add3A, %add3A_6 : vector<1000x1xf32>
    %rsqrt3A = math.rsqrt %add3A_7 : vector<1000x1xf32>
    %get3A_8 = arith.constant 0 : index
    %get3A_9 = arith.constant 0 : index
    %get3A_10 = vector.load %arg1[%get3A_8, %get3A_9] : memref<1000x256xf32, #tpu.memory_space<vmem>>, vector<1000x256xf32>
    %get3A_11 = arith.constant 0 : index
    %get3A_12 = arith.constant 0 : index
    %get3A_13 = vector.load %arg2[%get3A_11, %get3A_12] : memref<256x256xf32, #tpu.memory_space<vmem>>, vector<256x256xf32>
    %dot_general3A = arith.constant dense<0.000000e+00> : vector<1000x256xf32>
    %dot_general3A_14 = tpu.matmul %get3A_10, %get3A_13, %dot_general3A {dimension_numbers = #tpu.dot_dimension_numbers<[1], [0], [0], [1], [0, 0, 1, 1], [], []>, transpose_lhs_hint = false} : vector<1000x256xf32>, vector<256x256xf32>, vector<1000x256xf32> -> vector<1000x256xf32>
    %mul3A = vector.broadcast %rsqrt3A : vector<1000x1xf32> to vector<1000x256xf32>
    %mul3A_15 = arith.mulf %dot_general3A_14, %mul3A : vector<1000x256xf32>
    %slice3A = vector.extract_strided_slice %mul3A_15 {offsets = [0, 0], sizes = [1000, 128], strides = [1, 1]} : vector<1000x256xf32> to vector<1000x128xf32>
    %swap3A = arith.constant 0 : index
    %swap3A_16 = arith.constant 0 : index
    %swap3A_17 = vector.load %arg5[%swap3A, %swap3A_16] : memref<1000x128xf32, #tpu.memory_space<vmem>>, vector<1000x128xf32>
    tpu.vector_store %arg5[%swap3A, %swap3A_16], %slice3A {strides = array<i32>} : memref<1000x128xf32, #tpu.memory_space<vmem>>, vector<1000x128xf32>,
    %slice3A_18 = vector.extract_strided_slice %mul3A_15 {offsets = [0, 128], sizes = [1000, 128], strides = [1, 1]} : vector<1000x256xf32> to vector<1000x128xf32>
    %swap3A_19 = arith.constant 0 : index
    %swap3A_20 = arith.constant 0 : index
    %swap3A_21 = vector.load %arg6[%swap3A_19, %swap3A_20] : memref<1000x128xf32, #tpu.memory_space<vmem>>, vector<1000x128xf32>
    tpu.vector_store %arg6[%swap3A_19, %swap3A_20], %slice3A_18 {strides = array<i32>} : memref<1000x128xf32, #tpu.memory_space<vmem>>, vector<1000x128xf32>,
    %swap3A_22 = arith.constant 0 : index
    %swap3A_23 = arith.constant 0 : index
    %swap3A_24 = vector.load %arg7[%swap3A_22, %swap3A_23] : memref<1000x1xf32, #tpu.memory_space<vmem>>, vector<1000x1xf32>
    tpu.vector_store %arg7[%swap3A_22, %swap3A_23], %rsqrt3A {strides = array<i32>} : memref<1000x1xf32, #tpu.memory_space<vmem>>, vector<1000x1xf32>,
    return
  }
  func.func @transform_0(%arg0: i32) -> (i32, i32) {
    %c0_i32 = arith.constant 0 : i32
    %c0_i32_0 = arith.constant 0 : i32
    return %arg0, %c0_i32 : i32, i32
  }
  func.func @transform_1(%arg0: i32) -> (i32, i32) {
    %c0_i32 = arith.constant 0 : i32
    %c0_i32_0 = arith.constant 0 : i32
    %c0_i32_1 = arith.constant 0 : i32
    return %c0_i32, %c0_i32_0 : i32, i32
  }
  func.func @transform_2(%arg0: i32) -> (i32, i32) {
    %c0_i32 = arith.constant 0 : i32
    %c0_i32_0 = arith.constant 0 : i32
    return %arg0, %c0_i32 : i32, i32
  }
  func.func @transform_3(%arg0: i32) -> (i32, i32) {
    %c0_i32 = arith.constant 0 : i32
    %c0_i32_0 = arith.constant 0 : i32
    return %arg0, %c0_i32 : i32, i32
  }
  func.func @transform_4(%arg0: i32) -> (i32, i32) {
    %c0_i32 = arith.constant 0 : i32
    %c0_i32_0 = arith.constant 0 : i32
    return %arg0, %c0_i32 : i32, i32
  }
  func.func @transform_5(%arg0: i32) -> (i32, i32) {
    %c0_i32 = arith.constant 0 : i32
    %c0_i32_0 = arith.constant 0 : i32
    return %arg0, %c0_i32 : i32, i32
  }
  func.func @transform_6(%arg0: i32) -> (i32, i32) {
    %c0_i32 = arith.constant 0 : i32
    %c0_i32_0 = arith.constant 0 : i32
    return %arg0, %c0_i32 : i32, i32
  }
}

module attributes {stable_mosaic.version = 14 : i64} {
  func.func @_bn_body(%arg0: i32, %arg1: i32, %arg2: memref<1000x128xf32, #tpu.memory_space<vmem>>, %arg3: memref<1000x128xf32, #tpu.memory_space<vmem>>, %arg4: memref<1000x1xf32, #tpu.memory_space<vmem>>, %arg5: memref<1x256xf32, #tpu.memory_space<vmem>>, %arg6: memref<1x256xf32, #tpu.memory_space<vmem>>, %arg7: memref<1x256xf32, #tpu.memory_space<vmem>>, %arg8: memref<1000x256xf32, #tpu.memory_space<vmem>>, %arg9: memref<10x1000x256xf32, #tpu.memory_space<vmem>>, %arg10: memref<8x256xf32, #tpu.memory_space<vmem>>) attributes {dimension_semantics = [#tpu.dimension_semantics<arbitrary>, #tpu.dimension_semantics<arbitrary>], iteration_bounds = array<i64: 2, 10>, scalar_prefetch = 0 : i64, scratch_operands = 2 : i64, tpu.core_type = #tpu.core_type<tc>, window_params = [{transform_indices = @transform_0, window_bounds = array<i64: 1000, 128>}, {transform_indices = @transform_1, window_bounds = array<i64: 1000, 128>}, {transform_indices = @transform_2, window_bounds = array<i64: 1000, 1>}, {pipeline_mode = #tpu.pipeline_mode<synchronous>, transform_indices = @transform_3, window_bounds = array<i64: 1, 256>}, {pipeline_mode = #tpu.pipeline_mode<synchronous>, transform_indices = @transform_4, window_bounds = array<i64: 1, 256>}, {pipeline_mode = #tpu.pipeline_mode<synchronous>, transform_indices = @transform_5, window_bounds = array<i64: 1, 256>}, {transform_indices = @transform_6, window_bounds = array<i64: 1000, 256>}]} {
    %eq3A = arith.constant 0 : i32
    %eq3A_0 = arith.cmpi eq, %arg0, %eq3A : i32
    %convert_element_type3A = arith.extui %eq3A_0 : i1 to i32
    %cond3A = arith.constant 0 : i32
    %cond3A_1 = arith.cmpi ne, %convert_element_type3A, %cond3A : i32
    scf.if %cond3A_1 {
      %get3A = arith.constant 0 : index
      %get3A_7 = arith.constant 0 : index
      %get3A_8 = vector.load %arg2[%get3A, %get3A_7] : memref<1000x128xf32, #tpu.memory_space<vmem>>, vector<1000x128xf32>
      %get3A_9 = arith.constant 0 : index
      %get3A_10 = arith.constant 0 : index
      %get3A_11 = vector.load %arg3[%get3A_9, %get3A_10] : memref<1000x128xf32, #tpu.memory_space<vmem>>, vector<1000x128xf32>
      %concatenate3A = tpu.concatenate %get3A_8, %get3A_11 in 1 : vector<1000x128xf32>, vector<1000x128xf32> -> vector<1000x256xf32>
      %get3A_12 = arith.constant 0 : index
      %get3A_13 = arith.constant 0 : index
      %get3A_14 = vector.load %arg4[%get3A_12, %get3A_13] : memref<1000x1xf32, #tpu.memory_space<vmem>>, vector<1000x1xf32>
      %mul3A = vector.broadcast %get3A_14 : vector<1000x1xf32> to vector<1000x256xf32>
      %mul3A_15 = arith.mulf %concatenate3A, %mul3A : vector<1000x256xf32>
      %get3A_16 = arith.constant 0 : index
      %get3A_17 = arith.constant 0 : index
      %get3A_18 = vector.load %arg5[%get3A_16, %get3A_17] : memref<1x256xf32, #tpu.memory_space<vmem>>, vector<1x256xf32>
      %add3A = vector.broadcast %get3A_18 : vector<1x256xf32> to vector<1000x256xf32>
      %add3A_19 = arith.addf %mul3A_15, %add3A : vector<1000x256xf32>
      %swap3A = arith.index_cast %arg1 : i32 to index
      %swap3A_20 = arith.constant 0 : index
      %swap3A_21 = arith.constant 0 : index
      %swap3A_22 = vector.load %arg9[%swap3A, %swap3A_20, %swap3A_21] : memref<10x1000x256xf32, #tpu.memory_space<vmem>>, vector<1x1000x256xf32>
      %swap3A_23 = vector.shape_cast %swap3A_22 : vector<1x1000x256xf32> to vector<1000x256xf32>
      %swap3A_24 = vector.shape_cast %add3A_19 : vector<1000x256xf32> to vector<1x1000x256xf32>
      tpu.vector_store %arg9[%swap3A, %swap3A_20, %swap3A_21], %swap3A_24 {strides = array<i32>} : memref<10x1000x256xf32, #tpu.memory_space<vmem>>, vector<1x1000x256xf32>,
      %reduce_sum3A = arith.constant dense<0.000000e+00> : vector<256xf32>
      %reduce_sum3A_25 = vector.multi_reduction <add>, %add3A_19, %reduce_sum3A [0] : vector<1000x256xf32> to vector<256xf32>
      %broadcast_in_dim3A = vector.shape_cast %reduce_sum3A_25 : vector<256xf32> to vector<1x256xf32>
      %mul3A_26 = arith.mulf %add3A_19, %add3A_19 : vector<1000x256xf32>
      %reduce_sum3A_27 = arith.constant dense<0.000000e+00> : vector<256xf32>
      %reduce_sum3A_28 = vector.multi_reduction <add>, %mul3A_26, %reduce_sum3A_27 [0] : vector<1000x256xf32> to vector<256xf32>
      %broadcast_in_dim3A_29 = vector.shape_cast %reduce_sum3A_28 : vector<256xf32> to vector<1x256xf32>
      %eq3A_30 = arith.constant 0 : i32
      %eq3A_31 = arith.cmpi eq, %arg1, %eq3A_30 : i32
      %convert_element_type3A_32 = arith.extui %eq3A_31 : i1 to i32
      %cond3A_33 = arith.constant 0 : i32
      %cond3A_34 = arith.cmpi ne, %convert_element_type3A_32, %cond3A_33 : i32
      scf.if %cond3A_34 {
        %swap3A_39 = arith.constant 0 : index
        %swap3A_40 = arith.constant 0 : index
        %swap3A_41 = vector.load %arg10[%swap3A_39, %swap3A_40] : memref<8x256xf32, #tpu.memory_space<vmem>>, vector<1x256xf32>
        tpu.vector_store %arg10[%swap3A_39, %swap3A_40], %broadcast_in_dim3A {strides = array<i32>} : memref<8x256xf32, #tpu.memory_space<vmem>>, vector<1x256xf32>,
        %swap3A_42 = arith.constant 1 : index
        %swap3A_43 = arith.constant 0 : index
        %swap3A_44 = vector.load %arg10[%swap3A_42, %swap3A_43] : memref<8x256xf32, #tpu.memory_space<vmem>>, vector<1x256xf32>
        tpu.vector_store %arg10[%swap3A_42, %swap3A_43], %broadcast_in_dim3A_29 {strides = array<i32>} : memref<8x256xf32, #tpu.memory_space<vmem>>, vector<1x256xf32>,
      } else {
      }
      %gt3A = arith.constant 0 : i32
      %gt3A_35 = arith.cmpi sgt, %arg1, %gt3A : i32
      %convert_element_type3A_36 = arith.extui %gt3A_35 : i1 to i32
      %cond3A_37 = arith.constant 0 : i32
      %cond3A_38 = arith.cmpi ne, %convert_element_type3A_36, %cond3A_37 : i32
      scf.if %cond3A_38 {
        %get3A_39 = arith.constant 0 : index
        %get3A_40 = arith.constant 0 : index
        %get3A_41 = vector.load %arg10[%get3A_39, %get3A_40] : memref<8x256xf32, #tpu.memory_space<vmem>>, vector<1x256xf32>
        %add3A_42 = arith.addf %get3A_41, %broadcast_in_dim3A : vector<1x256xf32>
        %swap3A_43 = arith.constant 0 : index
        %swap3A_44 = arith.constant 0 : index
        %swap3A_45 = vector.load %arg10[%swap3A_43, %swap3A_44] : memref<8x256xf32, #tpu.memory_space<vmem>>, vector<1x256xf32>
        tpu.vector_store %arg10[%swap3A_43, %swap3A_44], %add3A_42 {strides = array<i32>} : memref<8x256xf32, #tpu.memory_space<vmem>>, vector<1x256xf32>,
        %get3A_46 = arith.constant 1 : index
        %get3A_47 = arith.constant 0 : index
        %get3A_48 = vector.load %arg10[%get3A_46, %get3A_47] : memref<8x256xf32, #tpu.memory_space<vmem>>, vector<1x256xf32>
        %add3A_49 = arith.addf %get3A_48, %broadcast_in_dim3A_29 : vector<1x256xf32>
        %swap3A_50 = arith.constant 1 : index
        %swap3A_51 = arith.constant 0 : index
        %swap3A_52 = vector.load %arg10[%swap3A_50, %swap3A_51] : memref<8x256xf32, #tpu.memory_space<vmem>>, vector<1x256xf32>
        tpu.vector_store %arg10[%swap3A_50, %swap3A_51], %add3A_49 {strides = array<i32>} : memref<8x256xf32, #tpu.memory_space<vmem>>, vector<1x256xf32>,
      } else {
      }
    } else {
    }
    %eq3A_2 = arith.constant 1 : i32
    %eq3A_3 = arith.cmpi eq, %arg0, %eq3A_2 : i32
    %convert_element_type3A_4 = arith.extui %eq3A_3 : i1 to i32
    %cond3A_5 = arith.constant 0 : i32
    %cond3A_6 = arith.cmpi ne, %convert_element_type3A_4, %cond3A_5 : i32
    scf.if %cond3A_6 {
      %get3A = arith.constant 0 : index
      %get3A_7 = arith.constant 0 : index
      %get3A_8 = vector.load %arg10[%get3A, %get3A_7] : memref<8x256xf32, #tpu.memory_space<vmem>>, vector<1x256xf32>
      %mul3A = arith.constant 9.99999974E-5 : f32
      %mul3A_9 = vector.broadcast %mul3A : f32 to vector<1x256xf32>
      %mul3A_10 = arith.mulf %get3A_8, %mul3A_9 : vector<1x256xf32>
      %get3A_11 = arith.constant 1 : index
      %get3A_12 = arith.constant 0 : index
      %get3A_13 = vector.load %arg10[%get3A_11, %get3A_12] : memref<8x256xf32, #tpu.memory_space<vmem>>, vector<1x256xf32>
      %mul3A_14 = arith.constant 9.99999974E-5 : f32
      %mul3A_15 = vector.broadcast %mul3A_14 : f32 to vector<1x256xf32>
      %mul3A_16 = arith.mulf %get3A_13, %mul3A_15 : vector<1x256xf32>
      %mul3A_17 = arith.mulf %mul3A_10, %mul3A_10 : vector<1x256xf32>
      %sub3A = arith.subf %mul3A_16, %mul3A_17 : vector<1x256xf32>
      %get3A_18 = arith.constant 0 : index
      %get3A_19 = arith.constant 0 : index
      %get3A_20 = vector.load %arg6[%get3A_18, %get3A_19] : memref<1x256xf32, #tpu.memory_space<vmem>>, vector<1x256xf32>
      %add3A = arith.constant 9.99999974E-6 : f32
      %add3A_21 = vector.broadcast %add3A : f32 to vector<1x256xf32>
      %add3A_22 = arith.addf %sub3A, %add3A_21 : vector<1x256xf32>
      %rsqrt3A = math.rsqrt %add3A_22 : vector<1x256xf32>
      %mul3A_23 = arith.mulf %get3A_20, %rsqrt3A : vector<1x256xf32>
      %get3A_24 = arith.constant 0 : index
      %get3A_25 = arith.constant 0 : index
      %get3A_26 = vector.load %arg7[%get3A_24, %get3A_25] : memref<1x256xf32, #tpu.memory_space<vmem>>, vector<1x256xf32>
      %mul3A_27 = arith.mulf %mul3A_10, %mul3A_23 : vector<1x256xf32>
      %sub3A_28 = arith.subf %get3A_26, %mul3A_27 : vector<1x256xf32>
      %get3A_29 = arith.index_cast %arg1 : i32 to index
      %get3A_30 = arith.constant 0 : index
      %get3A_31 = arith.constant 0 : index
      %get3A_32 = vector.load %arg9[%get3A_29, %get3A_30, %get3A_31] : memref<10x1000x256xf32, #tpu.memory_space<vmem>>, vector<1x1000x256xf32>
      %get3A_33 = vector.shape_cast %get3A_32 : vector<1x1000x256xf32> to vector<1000x256xf32>
      %mul3A_34 = vector.broadcast %mul3A_23 : vector<1x256xf32> to vector<1000x256xf32>
      %mul3A_35 = arith.mulf %get3A_33, %mul3A_34 : vector<1000x256xf32>
      %add3A_36 = vector.broadcast %sub3A_28 : vector<1x256xf32> to vector<1000x256xf32>
      %add3A_37 = arith.addf %mul3A_35, %add3A_36 : vector<1000x256xf32>
      %max3A = arith.constant 0.000000e+00 : f32
      %max3A_38 = vector.broadcast %max3A : f32 to vector<1000x256xf32>
      %max3A_39 = arith.maximumf %add3A_37, %max3A_38 : vector<1000x256xf32>
      %swap3A = arith.constant 0 : index
      %swap3A_40 = arith.constant 0 : index
      %swap3A_41 = vector.load %arg8[%swap3A, %swap3A_40] : memref<1000x256xf32, #tpu.memory_space<vmem>>, vector<1000x256xf32>
      tpu.vector_store %arg8[%swap3A, %swap3A_40], %max3A_39 {strides = array<i32>} : memref<1000x256xf32, #tpu.memory_space<vmem>>, vector<1000x256xf32>,
    } else {
    }
    return
  }
  func.func @transform_0(%arg0: i32, %arg1: i32) -> (i32, i32) {
    %c0_i32 = arith.constant 0 : i32
    %c0_i32_0 = arith.constant 0 : i32
    return %arg1, %c0_i32 : i32, i32
  }
  func.func @transform_1(%arg0: i32, %arg1: i32) -> (i32, i32) {
    %c0_i32 = arith.constant 0 : i32
    %c0_i32_0 = arith.constant 0 : i32
    return %arg1, %c0_i32 : i32, i32
  }
  func.func @transform_2(%arg0: i32, %arg1: i32) -> (i32, i32) {
    %c0_i32 = arith.constant 0 : i32
    %c0_i32_0 = arith.constant 0 : i32
    return %arg1, %c0_i32 : i32, i32
  }
  func.func @transform_3(%arg0: i32, %arg1: i32) -> (i32, i32) {
    %c0_i32 = arith.constant 0 : i32
    %c0_i32_0 = arith.constant 0 : i32
    %c0_i32_1 = arith.constant 0 : i32
    return %c0_i32, %c0_i32_0 : i32, i32
  }
  func.func @transform_4(%arg0: i32, %arg1: i32) -> (i32, i32) {
    %c0_i32 = arith.constant 0 : i32
    %c0_i32_0 = arith.constant 0 : i32
    %c0_i32_1 = arith.constant 0 : i32
    return %c0_i32, %c0_i32_0 : i32, i32
  }
  func.func @transform_5(%arg0: i32, %arg1: i32) -> (i32, i32) {
    %c0_i32 = arith.constant 0 : i32
    %c0_i32_0 = arith.constant 0 : i32
    %c0_i32_1 = arith.constant 0 : i32
    return %c0_i32, %c0_i32_0 : i32, i32
  }
  func.func @transform_6(%arg0: i32, %arg1: i32) -> (i32, i32) {
    %mul3A = arith.muli %arg0, %arg1 : i32
    %c0_i32 = arith.constant 0 : i32
    %c0_i32_0 = arith.constant 0 : i32
    return %mul3A, %c0_i32 : i32, i32
  }
}

</mosaic_0001>

<sc_bundles>
// kernel: kernel.6.cloned.1.call-start
scs
__scs_entry_jumppad:
0x0: {  	(pc) =	sbr.rel $0x88, $3  }
0x1: {  	(tag) =	ssettag $0x0;
	lr =	simm.s32 $0x1  }
0x2: {  	[smem:$0x3F9B] =	sst lr;
	_ =	strace $0xD0000000  }
0x3: {  	_ = 	snop  }
0x4: {  	_ = 	snop  }
0x5: {  	_ = 	snop  }
0x6: {  	_ = 	snop  }
0x7: {  	_ = 	snop  }
__scs_overlays_trampoline_lowered:
0x8: {  	[smem:$0x3FAA] =	sst s0  }
0x9: {  	[smem:$0x3FAB] =	sst s1  }
0xa: {  	[smem:$0x3FAC] =	sst s2  }
0xb: {  	[smem:$0x3FAD] =	sst s3  }
0xc: {  	[smem:$0x3FAE] =	sst s4  }
0xd: {  	[smem:$0x3FAF] =	sst s5  }
0xe: {  	[smem:$0x3FB0] =	sst s6  }
0xf: {  	[smem:$0x3FB1] =	sst s7  }
0x10: {  	[smem:$0x3FB2] =	sst s8  }
0x11: {  	[smem:$0x3FB3] =	sst s9;
	s0 =	simm.s32 @!p0 $0x0  }
0x12: {  	s1 =	sld [smem:$0x3F99];
	s0 =	simm.s32 @p0 $0x1  }
0x13: {  	[smem:$0x3FB4] =	sst s0;
	s0 =	simm.s32 @!p1 $0x0  }
0x14: {  	s2 =	sld [smem:$0x3F98];
	s0 =	simm.s32 @p1 $0x1  }
0x15: {  	[smem:$0x3FB5] =	sst s0;
	s0 =	simm.s32 @!p2 $0x0  }
0x16: {  	s3 =	sld [smem:$0x3FDB];
	s0 =	simm.s32 @p2 $0x1  }
0x17: {  	s4 =	simm.s32 $0x1BF5;
	[smem:$0x3FB7] =	sst s0  }
0x18: {  	s0 =	sld [smem:$0x3F9A];
	_ =	swait.ge [sflag:s4], $0x0  }
0x19: {  	s7 =	sld [smem:$0x3F9B]  }
0x1a: {  	s8 =	sadd.s32 $0xFFFFE003, lr  }
0x1b: {  	s9 =	sadd.s32 $0xFFFFFEF7, lr;
	s5 =	simm.s32 $0xFFFFFFFF;
	p2 =	slt.u32 s8, $0xFFFFF086  }
0x1c: {  	p1 =	slt.u32 s9, $0xF7A;
	s5 =	simm.s32 @!p2 $0x0  }
0x1d: {  	s5 =	simm.s32 @p1 $0x1;
	p0 =	seq.s32 s7, s2  }
0x1e: {  	s7 =	smul.u32 @!p0 $0xF7A, s2;
	p2 =	seq.s32 @!p0 s5, $0x0  }
0x1f: {  	s9 =	smul.u32 $0xF7A, s1;
	s8 =	simm.s32 @!p0 $0x1BF5;
	p2 =	por !p2, p0  }
0x20: {  	[sflag:s8] =	ssyncset.s32 @!p0 $0xFFFFF086;
	s6 =	sadd.s32 @!p0 s3, s7;
	s7 =	simm.s32 @!p0 $0x108  }
0x21: {  	s3 =	sadd.s32 s3, s9;
	s6 =	sadd.s32 @!p0 $0x88, s6;
	s7 =	simm.s32 @p2 $0x1082  }
0x22: {  	[simem:s7], [sflag:s8] =	dma.local @!p0 [hbm:s6], $0xF7A  }
0x23: {  	s9 =	sor.u32 $0xD0000000, s2;
	s6 =	simm.s32 $0x108;
	_ =	swait.ge @!p0 [sflag:s8], $0x0  }
0x24: {  	s3 =	sadd.s32 $0x88, s3;
	s6 =	simm.s32 @!p1 $0x1082;
	[sflag:s4] =	ssyncset.s32 $0xFFFFF086  }
0x25: {  	[simem:s6], [sflag:s4] =	dma.local [hbm:s3], $0xF7A  }
0x26: {  	[smem:$0x3F9B] =	sst s1;
	(tag) =	ssettag s2;
	_ =	strace s9  }
0x27: {  	s1 =	sld [smem:$0x3FAB]  }
0x28: {  	s2 =	sld [smem:$0x3FAC]  }
0x29: {  	s4 =	sld [smem:$0x3FAE]  }
0x2a: {  	p0 =	seq.s32 s5, $0x0;
	s5 =	sld [smem:$0x3FAF]  }
0x2b: {  	s6 =	sld [smem:$0x3FB0]  }
0x2c: {  	s7 =	sld [smem:$0x3FB1]  }
0x2d: {  	s3 =	simm.s32 $0x108;
	s8 =	sld [smem:$0x3FB2]  }
0x2e: {  	s3 =	simm.s32 @!p0 $0x1082;
	s9 =	sld [smem:$0x3FB3]  }
0x2f: {  	lr =	sadd.s32 s0, s3;
	s0 =	sld [smem:$0x3FAA]  }
0x30: {  	s3 =	sld [smem:$0x3FAD]  }
0x31: {  	[smem:$0x3FB6] =	sst s10  }
0x32: {  	s10 =	sld [smem:$0x3FB4];
	_ =	sdelay $0x3  }
0x33: {  	p0 =	seq.s32 s10, $0x1;
	s10 =	sld [smem:$0x3FB6];
	_ =	sdelay $0x3  }
0x34: {  	[smem:$0x3FB6] =	sst s10  }
0x35: {  	s10 =	sld [smem:$0x3FB5];
	_ =	sdelay $0x3  }
0x36: {  	p1 =	seq.s32 s10, $0x1;
	s10 =	sld [smem:$0x3FB6];
	_ =	sdelay $0x3  }
0x37: {  	[smem:$0x3FB6] =	sst s10  }
0x38: {  	s10 =	sld [smem:$0x3FB7]  }
0x39: {  	_ = 	snop;
	(pc) =	sbr.ind lr, $3  }
0x3a: {  	_ = 	snop  }
0x3b: {  	_ = 	snop  }
0x3c: {  	p2 =	seq.s32 s10, $0x1;
	s10 =	sld [smem:$0x3FB6]  }
0x3d: {  	_ =	shalt  }
0x3e: {  	_ =	shalt  }
0x3f: {  	_ =	shalt  }
0x40: {  	_ =	shalt  }
0x41: {  	_ =	shalt  }
0x42: {  	_ =	shalt  }
0x43: {  	_ =	shalt  }
0x44: {  	_ =	shalt  }
0x45: {  	_ =	shalt  }
0x46: {  	_ =	shalt  }
0x47: {  	_ =	shalt  }
0x48: {  	_ =	shalt  }
0x49: {  	_ =	shalt  }
0x4a: {  	_ =	shalt  }
0x4b: {  	_ =	shalt  }
0x4c: {  	_ =	shalt  }
0x4d: {  	_ =	shalt  }
0x4e: {  	_ =	shalt  }
0x4f: {  	_ =	shalt  }
0x50: {  	_ =	shalt  }
0x51: {  	_ =	shalt  }
0x52: {  	_ =	shalt  }
0x53: {  	_ =	shalt  }
0x54: {  	_ =	shalt  }
0x55: {  	_ =	shalt  }
0x56: {  	_ =	shalt  }
0x57: {  	_ =	shalt  }
0x58: {  	_ =	shalt  }
0x59: {  	_ =	shalt  }
0x5a: {  	_ =	shalt  }
0x5b: {  	_ =	shalt  }
0x5c: {  	_ =	shalt  }
0x5d: {  	_ =	shalt  }
0x5e: {  	_ =	shalt  }
0x5f: {  	_ =	shalt  }
0x60: {  	_ =	shalt  }
0x61: {  	_ =	shalt  }
0x62: {  	_ =	shalt  }
0x63: {  	_ =	shalt  }
0x64: {  	_ =	shalt  }
0x65: {  	_ =	shalt  }
0x66: {  	_ =	shalt  }
0x67: {  	_ =	shalt  }
0x68: {  	_ =	shalt  }
0x69: {  	_ =	shalt  }
0x6a: {  	_ =	shalt  }
0x6b: {  	_ =	shalt  }
0x6c: {  	_ =	shalt  }
0x6d: {  	_ =	shalt  }
0x6e: {  	_ =	shalt  }
0x6f: {  	_ =	shalt  }
0x70: {  	_ =	shalt  }
0x71: {  	_ =	shalt  }
0x72: {  	_ =	shalt  }
0x73: {  	_ =	shalt  }
0x74: {  	_ =	shalt  }
0x75: {  	_ =	shalt  }
0x76: {  	_ =	shalt  }
0x77: {  	_ =	shalt  }
0x78: {  	_ =	shalt  }
0x79: {  	_ =	shalt  }
0x7a: {  	_ =	shalt  }
0x7b: {  	_ =	shalt  }
0x7c: {  	_ =	shalt  }
0x7d: {  	_ =	shalt  }
0x7e: {  	_ =	shalt  }
0x7f: {  	_ =	shalt  }
0x80: {  	_ =	shalt  }
0x81: {  	_ =	shalt  }
0x82: {  	_ =	shalt  }
0x83: {  	_ =	shalt  }
0x84: {  	_ =	shalt  }
0x85: {  	_ =	shalt  }
0x86: {  	_ =	shalt  }
0x87: {  	_ =	shalt  }
.Lfunc_end0:
.L_simem_size_0:
called_computation_lowered:
.L_overlay_start_0:
0x88: {  	s2 =	sld [smem:$0x3FD9]  }
0x89: {  	s3 =	sld [smem:$0x3FFE];
	_ =	sdelay $0x1  }
0x8a: {  	s1 =	srdreg.scid  }
0x8b: {  	s0 =	sand.u32 $0x1, s1  }
0x8c: {  	s17 =	sshll.u32 s0, $0xA;
	s2 =	sadd.s32 s3, s2  }
0x8d: {  	s2 =	sadd.s32 s2, s17  }
0x8e: {  	[smem:$0x3FC2] =	sst s2  }
0x8f: {  	_ = 	snop  }
0x90: {  	s2 =	sld [smem:$0x3FD0];
	(tm) =	ssettm $0x1  }
0x91: {  	s18 =	sld [smem:$0x3FFB];
	_ =	sdelay $0x3  }
0x92: {  	_ =	strace s18  }
0x93: {  	s3 =	sld [smem:$0x3FFC];
	_ =	sdelay $0x3  }
0x94: {  	_ =	strace s3  }
0x95: {  	s3 =	sld [smem:$0x3FFD];
	_ =	sdelay $0x3  }
0x96: {  	_ =	strace s3  }
0x97: {  	_ =	strace $0x8FFFFFFF  }
0x98: {  	s19 =	sld [smem:$0x3FDB];
	_ =	sdelay $0x1  }
0x99: {  	s4 =	simm.s32 $_scs_section_size  }
0x9a: {  	s5 =	simm.s32 $_size__tile_overlayer_lowered;
	s6 =	simm.s32 $_tile_overlayer_lowered  }
0x9b: {  	s22 =	simm.s32 $0x1BFF;
	s21 =	sshll.u32 s6, $0x1;
	s3 =	sadd.s32 s4, s19  }
0x9c: {  	s7 =	simm.s32 $0x0;
	s20 =	sshll.u32 s5, $0x1;
	s5 =	sadd.s32 s21, s3  }
0x9d: {  	[timem:s7], [sflag:s22] =	dma.local [hbm:s5], s20  }
0x9e: {  	_ =	swait.ge [sflag:s22], s20  }
0x9f: {  	s4 =	ssub.s32 $0x0, s20;
	[sflag:s22] =	ssyncset.done $0x0  }
0xa0: {  	[sflag:s22] =	ssyncadd.s32 s4;
	_ =	sdelay $0x1  }
0xa1: {  	s23 =	simm.s32 $0x1B8B  }
0xa2: {  	_ =	swait.ge [sflag:s23], $0x1  }
0xa3: {  	[sflag:s23] =	ssyncset.done $0x0  }
0xa4: {  	s25 =	simm.s32 $0x1B8E;
	s24 =	sld [smem:$0x3FFE];
	[sflag:s23] =	ssyncadd.s32 $0xFFFFFFFF  }
0xa5: {  	s26 =	simm.s32 $execute0_lowered;
	[smem:$0x3FD2] =	sst s25  }
0xa6: {  	s5 =	sshll.u32 s26, $0x1;
	_ =	strace $0x80000046;
	[dreg:$0x1] =	wrdreg $0xFFFFFFFF  }
0xa7: {  	s28 =	simm.s32 $_size_execute0_lowered;
	s3 =	sadd.s32 s3, s5;
	[dreg:$0x0] =	wrdreg $0x0  }
0xa8: {  	s5 =	sshll.u32 s28, $0x1;
	[dreg:$0x2] =	wrdreg s3  }
0xa9: {  	[dreg:$0x3] =	wrdreg s5  }
0xaa: {  	[dreg:$0x4] =	wrdreg $0xC0  }
0xab: {  	_ =	task [dreg:s7], $0x5FFFF  }
0xac: {  	[dreg:$0x1] =	wrdreg $0xFFFFFFFF  }
0xad: {  	[dreg:$0x0] =	wrdreg $0x60  }
0xae: {  	[dreg:$0x2] =	wrdreg s2  }
0xaf: {  	[dreg:$0x3] =	wrdreg s24  }
0xb0: {  	[dreg:$0x4] =	wrdreg $0x14800  }
0xb1: {  	[dreg:$0x5] =	wrdreg $0x9  }
0xb2: {  	_ =	task.clear_ibuf [dreg:s7], $0x6FFFF;
	_ =	strace $0x90000046  }
0xb3: {  	s29 =	simm.s32 $0x9;
	_ =	strace $0x80000048  }
0xb4: {  	_ =	swait.ge [sflag:s29], $0x1  }
0xb5: {  	[sflag:s29] =	ssyncadd.s32 $0xFFFFFFFF  }
0xb6: {  	_ =	strace $0x90000048  }
0xb7: {  	_ =	sfence  }
0xb8: {  	s30 =	sld [smem:$0x0];
	_ =	sdelay $0x2  }
0xb9: {  	s31 =	sshll.u32 s1, $0xD;
	s1 =	sshrl.u32 s1, $0x2  }
0xba: {  	s3 =	sand.u32 $0x4000, s31;
	s1 =	sadd.s32 s1, s30  }
0xbb: {  	s0 =	sor.u32 s3, s0;
	s1 =	sshll.u32 s1, $0x11  }
0xbc: {  	s0 =	sor.u32 s1, s0  }
0xbd: {  	s0 =	sadd.s32 $0x8F2B, s0  }
0xbe: {  	[sflag:s0] =	ssyncadd.remote.s32 $0x1  }
0xbf: {  	_ =	sfence.sel $0xFFFF  }
0xc0: {  	[dreg:$0x0] =	wrdreg $0xFFFFFFFF;
	(pc) =	sbr.abs _section_cstart, $3  }
0xc1: {  	[dreg:$0x1] =	wrdreg $0xFFFFFFFF  }
0xc2: {  	_ =	task.clear_ibuf [dreg:s7], $0x2FFFF;
	_ =	strace $0x9FFFFFFF  }
0xc3: {  	(tm) =	ssettm $0x7FFFFFFF  }
tec
execute0_lowered:
.L_overlay_start_1:
0x0: {  	(tag) =	ssettag $0x1  }
0x1: {  	s5 =	rddreg [dreg:$0x0]  }
0x2: {  	s4 =	rddreg [dreg:$0x1]  }
0x3: {  	s2 =	rddreg [dreg:$0x2]  }
0x4: {  	s0 =	rddreg [dreg:$0x3];
	s6 =	srdreg.scid  }
0x5: {  	s3 =	simm.s32 $0x0;
	s1 =	stileid.u32;
	s13 =	simm.s32 $0x80  }
0x6: {  	s14 =	simm.s32 $0x0;
	s6 =	sand.u32 $0x1, s6;
	[smem:$0x7FF] =	sst s3  }
0x7: {  	s7 =	smul.u32 $0x280, s1;
	s31 =	sshll.u32 s1, $0x6;
	s8 =	sshll.u32 s6, $0x4  }
0x8: {  	_ =	strace $0x80000047;
	s9 =	ssub.s32 $0x2, s6;
	p0 =	seq.s32 s6, $0x1  }
0x9: {  	s8 =	sor.u32 s1, s8;
	s10 =	sshrl.u32 s7, $0x3;
	s11 =	sshrl.u32 s9, $0x1  }
0xa: {  	s12 =	sadd.s32 s7, s2;
	s8 =	smul.u32 $0x280, s8;
	s10 =	sadd.s32 s10, s4  }
0xb: {  	s4 =	sadd.s32 $0x1C00, s4;
	s9 =	ssub.s32 s9, s11;
	s11 =	sor.u32 $0x1C01, s31  }
0xc: {  	s12 =	sshrl.u32 s12, $0x3;
	s5 =	sadd.s32 s5, s8;
	s8 =	simm.s32 $0x2400  }
0xd: {  	s6 =	sadd.s32 $0x1E00, s10;
	s7 =	smax.u32 s9, $0x1;
	s8 =	simm.s32 @!p0 $0x2A00  }
0xe: {  	s9 =	simm.s32 $0x1;
	s8 =	sadd.s32 s8, s10;
	s10 =	simm.s32 $0x1400  }
.LBB2_1:
0xf: {  	[tilespmem:s3], [sflag:$0x1] =	stream.linear.gather [hbm4b:s5+s3], $0x1400, $0x38;
	[tilespmem:$0x1700] =	vst v63  }
0x10: {  	_ =	swait.ge [sflag:s9], $0x1400  }
0x11: {  	[sflag:s9] =	ssyncset.done $0x0  }
0x12: {  	[sflag:s9] =	ssyncadd.s32 $0xFFFFEC00  }
0x13: {  	[tilespmem:s10], [sflag:$0x1] =	stream.linear.gather [hbm4b:s4+s3], $0x80, $0x38;
	[tilespmem:$0x1700] =	vst v63  }
0x14: {  	_ =	swait.ge [sflag:s9], $0x80  }
0x15: {  	[sflag:s9] =	ssyncset.done $0x0  }
0x16: {  	[sflag:s9] =	ssyncadd.s32 $0xFFFFFF80  }
0x17: {  	[spmem:s12], [sflag:s11] =	dma.local [hbm:s6], $0x50  }
0x18: {  	_ =	swait.ge [sflag:s9], $0x50  }
0x19: {  	[sflag:s9] =	ssyncset.done $0x0  }
0x1a: {  	[sflag:s9] =	ssyncadd.s32 $0xFFFFFFB0  }
0x1b: {  	s15 =	simm.s32 $0x0;
	[bflag:$0x0] =	sbarrier.arrive $0xFFFF  }
0x1c: {  	[spmem:s2] =	stream.indirect.scatter.add.f32 [tilespmem:s10], [sflag:$0x1], $0x1, s15, s13, $0xb8;
	[tilespmem:$0x1700] =	vst v63  }
0x1d: {  	_ =	swait.ge [sflag:s9], $0x80  }
0x1e: {  	s15 =	simm.s32 $0x200;
	[sflag:s9] =	ssyncset.done $0x0  }
.LBB2_2:
0x1f: {  	s16 =	sshra.s32 s15, $0x2;
	[sflag:s9] =	ssyncadd.s32 $0xFFFFFF80;
	p0 =	sne.s32 s15, $0x4E00  }
0x20: {  	[spmem:s2] =	stream.indirect.scatter.add.f32 [tilespmem:s10], [sflag:$0x1], $0x1, s16, s13, $0xb8;
	[tilespmem:$0x1700] =	vst v63  }
.Ltmp0:
0x21: {  	_ = 	snop;
	(pc) =	sbr.rel @p0 .LBB2_2-.Ltmp0, $4  }
0x22: {  	_ = 	snop  }
0x23: {  	s15 =	sadd.s32 $0x200, s15  }
0x24: {  	_ =	swait.ge [sflag:s9], $0x80  }
0x25: {  	[sflag:s9] =	ssyncset.done $0x0  }
0x26: {  	s14 =	sadd.s32 $0x1, s14  }
0x27: {  	[sflag:s9] =	ssyncadd.s32 $0xFFFFFF80;
	p0 =	sne.s32 s14, s7  }
.Ltmp1:
0x28: {  	[bflag:$0x0] =	sbarrier.arrive $0xFFFF;
	(pc) =	sbr.rel @p0 .LBB2_1-.Ltmp1, $4  }
0x29: {  	[hbm:s8], [sflag:s11] =	dma.local [spmem:s12], $0x50  }
0x2a: {  	_ =	swait.ge [sflag:s9], $0x50  }
0x2b: {  	[sflag:s9] =	ssyncset.done $0x0  }
0x2c: {  	[sflag:s9] =	ssyncadd.s32 $0xFFFFFFB0  }
0x2d: {  	_ =	sfence.sel $0x180000  }
0x2e: {  	[bflag:$0x0] =	sbarrier.arrive $0xFFFF  }
0x2f: {  	p0 =	sne.s32 s1, $0x0;
	_ =	strace $0x90000047  }
0x30: {  	s0 =	sadd.s32 @!p0 $0x100000, s0;
	[bflag:$0x2] =	sbarrier.arrive $0xFFFF  }
0x31: {  	[sflag:s0] =	ssyncadd.tile.s32 @!p0 $0x1;
	_ =	shalt  }
.Lfunc_end2:
_tile_overlayer_lowered:
.L_overlay_start_2:
0x32: {  	(tag) =	ssettag $0x2  }
0x33: {  	s0 =	rddreg [dreg:$0x0];
	s2 =	stileid.u32  }
0x34: {  	s1 =	rddreg [dreg:$0x1];
	p0 =	sne.s32 s2, $0x0  }
0x35: {  	s3 =	rddreg [dreg:$0x2];
	[bflag:$0x3] =	sbarrier.arrive $0xFFFF;
	s2 =	simm.s32 @!p0 $0x1C01  }
0x36: {  	[timem:s3], [sflag:s2] =	dma.local @!p0 [hbm:s0], s1  }
0x37: {  	s0 =	simm.s32 @!p0 $0x1  }
0x38: {  	_ =	swait.ge @!p0 [sflag:s0], s1  }
0x39: {  	s1 =	ssub.s32 @!p0 $0x0, s1;
	[sflag:s0] =	ssyncset.done @!p0 $0x0  }
0x3a: {  	[sflag:s0] =	ssyncadd.s32 @!p0 s1  }
0x3b: {  	[bflag:$0x3] =	sbarrier.arrive $0xFFFF  }
0x3c: {  	_ =	shalt  }

// kernel: kernel.9.cloned.1.call-start
scs
__scs_entry_jumppad:
0x0: {  	(pc) =	sbr.rel $0x88, $3  }
0x1: {  	(tag) =	ssettag $0x0;
	lr =	simm.s32 $0x1  }
0x2: {  	[smem:$0x3F9B] =	sst lr;
	_ =	strace $0xD0000000  }
0x3: {  	_ = 	snop  }
0x4: {  	_ = 	snop  }
0x5: {  	_ = 	snop  }
0x6: {  	_ = 	snop  }
0x7: {  	_ = 	snop  }
__scs_overlays_trampoline_lowered:
0x8: {  	[smem:$0x3FAA] =	sst s0  }
0x9: {  	[smem:$0x3FAB] =	sst s1  }
0xa: {  	[smem:$0x3FAC] =	sst s2  }
0xb: {  	[smem:$0x3FAD] =	sst s3  }
0xc: {  	[smem:$0x3FAE] =	sst s4  }
0xd: {  	[smem:$0x3FAF] =	sst s5  }
0xe: {  	[smem:$0x3FB0] =	sst s6  }
0xf: {  	[smem:$0x3FB1] =	sst s7  }
0x10: {  	[smem:$0x3FB2] =	sst s8  }
0x11: {  	[smem:$0x3FB3] =	sst s9;
	s0 =	simm.s32 @!p0 $0x0  }
0x12: {  	s1 =	sld [smem:$0x3F99];
	s0 =	simm.s32 @p0 $0x1  }
0x13: {  	[smem:$0x3FB4] =	sst s0;
	s0 =	simm.s32 @!p1 $0x0  }
0x14: {  	s2 =	sld [smem:$0x3F98];
	s0 =	simm.s32 @p1 $0x1  }
0x15: {  	[smem:$0x3FB5] =	sst s0;
	s0 =	simm.s32 @!p2 $0x0  }
0x16: {  	s3 =	sld [smem:$0x3FDB];
	s0 =	simm.s32 @p2 $0x1  }
0x17: {  	s4 =	simm.s32 $0x1BF5;
	[smem:$0x3FB7] =	sst s0  }
0x18: {  	s0 =	sld [smem:$0x3F9A];
	_ =	swait.ge [sflag:s4], $0x0  }
0x19: {  	s7 =	sld [smem:$0x3F9B]  }
0x1a: {  	s8 =	sadd.s32 $0xFFFFE003, lr  }
0x1b: {  	s9 =	sadd.s32 $0xFFFFFEF7, lr;
	s5 =	simm.s32 $0xFFFFFFFF;
	p2 =	slt.u32 s8, $0xFFFFF086  }
0x1c: {  	p1 =	slt.u32 s9, $0xF7A;
	s5 =	simm.s32 @!p2 $0x0  }
0x1d: {  	s5 =	simm.s32 @p1 $0x1;
	p0 =	seq.s32 s7, s2  }
0x1e: {  	s7 =	smul.u32 @!p0 $0xF7A, s2;
	p2 =	seq.s32 @!p0 s5, $0x0  }
0x1f: {  	s9 =	smul.u32 $0xF7A, s1;
	s8 =	simm.s32 @!p0 $0x1BF5;
	p2 =	por !p2, p0  }
0x20: {  	[sflag:s8] =	ssyncset.s32 @!p0 $0xFFFFF086;
	s6 =	sadd.s32 @!p0 s3, s7;
	s7 =	simm.s32 @!p0 $0x108  }
0x21: {  	s3 =	sadd.s32 s3, s9;
	s6 =	sadd.s32 @!p0 $0x88, s6;
	s7 =	simm.s32 @p2 $0x1082  }
0x22: {  	[simem:s7], [sflag:s8] =	dma.local @!p0 [hbm:s6], $0xF7A  }
0x23: {  	s9 =	sor.u32 $0xD0000000, s2;
	s6 =	simm.s32 $0x108;
	_ =	swait.ge @!p0 [sflag:s8], $0x0  }
0x24: {  	s3 =	sadd.s32 $0x88, s3;
	s6 =	simm.s32 @!p1 $0x1082;
	[sflag:s4] =	ssyncset.s32 $0xFFFFF086  }
0x25: {  	[simem:s6], [sflag:s4] =	dma.local [hbm:s3], $0xF7A  }
0x26: {  	[smem:$0x3F9B] =	sst s1;
	(tag) =	ssettag s2;
	_ =	strace s9  }
0x27: {  	s1 =	sld [smem:$0x3FAB]  }
0x28: {  	s2 =	sld [smem:$0x3FAC]  }
0x29: {  	s4 =	sld [smem:$0x3FAE]  }
0x2a: {  	p0 =	seq.s32 s5, $0x0;
	s5 =	sld [smem:$0x3FAF]  }
0x2b: {  	s6 =	sld [smem:$0x3FB0]  }
0x2c: {  	s7 =	sld [smem:$0x3FB1]  }
0x2d: {  	s3 =	simm.s32 $0x108;
	s8 =	sld [smem:$0x3FB2]  }
0x2e: {  	s3 =	simm.s32 @!p0 $0x1082;
	s9 =	sld [smem:$0x3FB3]  }
0x2f: {  	lr =	sadd.s32 s0, s3;
	s0 =	sld [smem:$0x3FAA]  }
0x30: {  	s3 =	sld [smem:$0x3FAD]  }
0x31: {  	[smem:$0x3FB6] =	sst s10  }
0x32: {  	s10 =	sld [smem:$0x3FB4];
	_ =	sdelay $0x3  }
0x33: {  	p0 =	seq.s32 s10, $0x1;
	s10 =	sld [smem:$0x3FB6];
	_ =	sdelay $0x3  }
0x34: {  	[smem:$0x3FB6] =	sst s10  }
0x35: {  	s10 =	sld [smem:$0x3FB5];
	_ =	sdelay $0x3  }
0x36: {  	p1 =	seq.s32 s10, $0x1;
	s10 =	sld [smem:$0x3FB6];
	_ =	sdelay $0x3  }
0x37: {  	[smem:$0x3FB6] =	sst s10  }
0x38: {  	s10 =	sld [smem:$0x3FB7]  }
0x39: {  	_ = 	snop;
	(pc) =	sbr.ind lr, $3  }
0x3a: {  	_ = 	snop  }
0x3b: {  	_ = 	snop  }
0x3c: {  	p2 =	seq.s32 s10, $0x1;
	s10 =	sld [smem:$0x3FB6]  }
0x3d: {  	_ =	shalt  }
0x3e: {  	_ =	shalt  }
0x3f: {  	_ =	shalt  }
0x40: {  	_ =	shalt  }
0x41: {  	_ =	shalt  }
0x42: {  	_ =	shalt  }
0x43: {  	_ =	shalt  }
0x44: {  	_ =	shalt  }
0x45: {  	_ =	shalt  }
0x46: {  	_ =	shalt  }
0x47: {  	_ =	shalt  }
0x48: {  	_ =	shalt  }
0x49: {  	_ =	shalt  }
0x4a: {  	_ =	shalt  }
0x4b: {  	_ =	shalt  }
0x4c: {  	_ =	shalt  }
0x4d: {  	_ =	shalt  }
0x4e: {  	_ =	shalt  }
0x4f: {  	_ =	shalt  }
0x50: {  	_ =	shalt  }
0x51: {  	_ =	shalt  }
0x52: {  	_ =	shalt  }
0x53: {  	_ =	shalt  }
0x54: {  	_ =	shalt  }
0x55: {  	_ =	shalt  }
0x56: {  	_ =	shalt  }
0x57: {  	_ =	shalt  }
0x58: {  	_ =	shalt  }
0x59: {  	_ =	shalt  }
0x5a: {  	_ =	shalt  }
0x5b: {  	_ =	shalt  }
0x5c: {  	_ =	shalt  }
0x5d: {  	_ =	shalt  }
0x5e: {  	_ =	shalt  }
0x5f: {  	_ =	shalt  }
0x60: {  	_ =	shalt  }
0x61: {  	_ =	shalt  }
0x62: {  	_ =	shalt  }
0x63: {  	_ =	shalt  }
0x64: {  	_ =	shalt  }
0x65: {  	_ =	shalt  }
0x66: {  	_ =	shalt  }
0x67: {  	_ =	shalt  }
0x68: {  	_ =	shalt  }
0x69: {  	_ =	shalt  }
0x6a: {  	_ =	shalt  }
0x6b: {  	_ =	shalt  }
0x6c: {  	_ =	shalt  }
0x6d: {  	_ =	shalt  }
0x6e: {  	_ =	shalt  }
0x6f: {  	_ =	shalt  }
0x70: {  	_ =	shalt  }
0x71: {  	_ =	shalt  }
0x72: {  	_ =	shalt  }
0x73: {  	_ =	shalt  }
0x74: {  	_ =	shalt  }
0x75: {  	_ =	shalt  }
0x76: {  	_ =	shalt  }
0x77: {  	_ =	shalt  }
0x78: {  	_ =	shalt  }
0x79: {  	_ =	shalt  }
0x7a: {  	_ =	shalt  }
0x7b: {  	_ =	shalt  }
0x7c: {  	_ =	shalt  }
0x7d: {  	_ =	shalt  }
0x7e: {  	_ =	shalt  }
0x7f: {  	_ =	shalt  }
0x80: {  	_ =	shalt  }
0x81: {  	_ =	shalt  }
0x82: {  	_ =	shalt  }
0x83: {  	_ =	shalt  }
0x84: {  	_ =	shalt  }
0x85: {  	_ =	shalt  }
0x86: {  	_ =	shalt  }
0x87: {  	_ =	shalt  }
.Lfunc_end0:
.L_simem_size_0:
called_computation.1_lowered:
.L_overlay_start_0:
0x88: {  	s2 =	sld [smem:$0x3FD9]  }
0x89: {  	s3 =	sld [smem:$0x3FFE];
	_ =	sdelay $0x1  }
0x8a: {  	s1 =	srdreg.scid  }
0x8b: {  	s0 =	sand.u32 $0x1, s1  }
0x8c: {  	s17 =	sshll.u32 s0, $0xA;
	s2 =	sadd.s32 s3, s2  }
0x8d: {  	s2 =	sadd.s32 s2, s17  }
0x8e: {  	[smem:$0x3FC2] =	sst s2  }
0x8f: {  	_ = 	snop  }
0x90: {  	s2 =	sld [smem:$0x3FD0];
	(tm) =	ssettm $0x1  }
0x91: {  	s18 =	sld [smem:$0x3FFB];
	_ =	sdelay $0x3  }
0x92: {  	_ =	strace s18  }
0x93: {  	s3 =	sld [smem:$0x3FFC];
	_ =	sdelay $0x3  }
0x94: {  	_ =	strace s3  }
0x95: {  	s3 =	sld [smem:$0x3FFD];
	_ =	sdelay $0x3  }
0x96: {  	_ =	strace s3  }
0x97: {  	_ =	strace $0x8FFFFFFF  }
0x98: {  	s19 =	sld [smem:$0x3FDB];
	_ =	sdelay $0x1  }
0x99: {  	s4 =	simm.s32 $_scs_section_size  }
0x9a: {  	s5 =	simm.s32 $_size__tile_overlayer_lowered;
	s6 =	simm.s32 $_tile_overlayer_lowered  }
0x9b: {  	s22 =	simm.s32 $0x1BFF;
	s21 =	sshll.u32 s6, $0x1;
	s3 =	sadd.s32 s4, s19  }
0x9c: {  	s7 =	simm.s32 $0x0;
	s20 =	sshll.u32 s5, $0x1;
	s5 =	sadd.s32 s21, s3  }
0x9d: {  	[timem:s7], [sflag:s22] =	dma.local [hbm:s5], s20  }
0x9e: {  	_ =	swait.ge [sflag:s22], s20  }
0x9f: {  	s4 =	ssub.s32 $0x0, s20;
	[sflag:s22] =	ssyncset.done $0x0  }
0xa0: {  	[sflag:s22] =	ssyncadd.s32 s4;
	_ =	sdelay $0x1  }
0xa1: {  	s23 =	simm.s32 $0x1B8B  }
0xa2: {  	_ =	swait.ge [sflag:s23], $0x1  }
0xa3: {  	[sflag:s23] =	ssyncset.done $0x0  }
0xa4: {  	s25 =	simm.s32 $0x1B8E;
	s24 =	sld [smem:$0x3FFE];
	[sflag:s23] =	ssyncadd.s32 $0xFFFFFFFF  }
0xa5: {  	s26 =	simm.s32 $execute0_lowered;
	[smem:$0x3FD2] =	sst s25  }
0xa6: {  	s5 =	sshll.u32 s26, $0x1;
	_ =	strace $0x80000049;
	[dreg:$0x1] =	wrdreg $0xFFFFFFFF  }
0xa7: {  	s28 =	simm.s32 $_size_execute0_lowered;
	s3 =	sadd.s32 s3, s5;
	[dreg:$0x0] =	wrdreg $0x0  }
0xa8: {  	s5 =	sshll.u32 s28, $0x1;
	[dreg:$0x2] =	wrdreg s3  }
0xa9: {  	[dreg:$0x3] =	wrdreg s5  }
0xaa: {  	[dreg:$0x4] =	wrdreg $0xC0  }
0xab: {  	_ =	task [dreg:s7], $0x5FFFF  }
0xac: {  	[dreg:$0x1] =	wrdreg $0xFFFFFFFF  }
0xad: {  	[dreg:$0x0] =	wrdreg $0x60  }
0xae: {  	[dreg:$0x2] =	wrdreg s2  }
0xaf: {  	[dreg:$0x3] =	wrdreg s24  }
0xb0: {  	[dreg:$0x4] =	wrdreg $0x90000  }
0xb1: {  	[dreg:$0x5] =	wrdreg $0x9  }
0xb2: {  	_ =	task.clear_ibuf [dreg:s7], $0x6FFFF;
	_ =	strace $0x90000049  }
0xb3: {  	s29 =	simm.s32 $0x9;
	_ =	strace $0x8000004B  }
0xb4: {  	_ =	swait.ge [sflag:s29], $0x1  }
0xb5: {  	[sflag:s29] =	ssyncadd.s32 $0xFFFFFFFF  }
0xb6: {  	_ =	strace $0x9000004B  }
0xb7: {  	_ =	sfence  }
0xb8: {  	s30 =	sld [smem:$0x0];
	_ =	sdelay $0x2  }
0xb9: {  	s31 =	sshll.u32 s1, $0xD;
	s1 =	sshrl.u32 s1, $0x2  }
0xba: {  	s3 =	sand.u32 $0x4000, s31;
	s1 =	sadd.s32 s1, s30  }
0xbb: {  	s0 =	sor.u32 s3, s0;
	s1 =	sshll.u32 s1, $0x11  }
0xbc: {  	s0 =	sor.u32 s1, s0  }
0xbd: {  	s0 =	sadd.s32 $0x8F2B, s0  }
0xbe: {  	[sflag:s0] =	ssyncadd.remote.s32 $0x1  }
0xbf: {  	_ =	sfence.sel $0xFFFF  }
0xc0: {  	[dreg:$0x0] =	wrdreg $0xFFFFFFFF;
	(pc) =	sbr.abs _section_cstart, $3  }
0xc1: {  	[dreg:$0x1] =	wrdreg $0xFFFFFFFF  }
0xc2: {  	_ =	task.clear_ibuf [dreg:s7], $0x2FFFF;
	_ =	strace $0x9FFFFFFF  }
0xc3: {  	(tm) =	ssettm $0x7FFFFFFF  }
tec
execute0_lowered:
.L_overlay_start_1:
0x0: {  	(tag) =	ssettag $0x1  }
0x1: {  	s1 =	rddreg [dreg:$0x0]  }
0x2: {  	s15 =	rddreg [dreg:$0x1]  }
0x3: {  	s3 =	rddreg [dreg:$0x2]  }
0x4: {  	s0 =	rddreg [dreg:$0x3];
	s4 =	simm.s32 $0x0  }
0x5: {  	s2 =	stileid.u32;
	s5 =	srdreg.scid;
	s20 =	simm.s32 $0x1  }
0x6: {  	s21 =	simm.s32 $0x2800;
	s22 =	simm.s32 $0x80;
	s6 =	smul.u32 $0x500, s2  }
0x7: {  	s23 =	simm.s32 $0x5000;
	[smem:$0x7FF] =	sst s4;
	s12 =	smul.u32 $0x2780, s2  }
0x8: {  	s7 =	sand.u32 $0x1, s5;
	s8 =	smul.u32 $0x4F000, s2;
	s5 =	sadd.s32 $0xD000, s15  }
0x9: {  	s17 =	sadd.s32 $0x128400, s3;
	s11 =	sadd.s32 $0x59280, s15;
	s13 =	sadd.s32 $0x32080, s15  }
0xa: {  	p1 =	seq.s32 s2, $0xF;
	_ =	strace $0x8000004A;
	s31 =	ssub.s32 $0x2, s7  }
0xb: {  	p0 =	seq.s32 s7, $0x1;
	s7 =	sadd.s32 $0x25080, s1;
	s17 =	sshrl.u32 @p1 s17, $0x3  }
0xc: {  	s18 =	sshll.u32 @!p1 s2, $0x6;
	s9 =	sadd.s32 s6, s15;
	s14 =	sadd.s32 s12, s15  }
.Ltmp0:
0xd: {  	s10 =	sshrl.u32 s31, $0x1;
	s8 =	sshrl.u32 s8, $0x2;
	(pc) =	sbr.rel .LBB2_1-.Ltmp0, $4  }
0xe: {  	s6 =	sadd.s32 s1, s12;
	s12 =	sadd.s32 s5, s12;
	s15 =	sadd.s32 $0x80480, s15  }
0xf: {  	s18 =	sor.u32 @!p1 $0x1C01, s18;
	s16 =	ssub.s32 s31, s10;
	s19 =	sadd.s32 s8, s3  }
0x10: {  	s8 =	sadd.s32 $0x3000, s9;
	s9 =	sadd.s32 $0x8000, s9;
	s10 =	sadd.s32 $0x34200, s14  }
0x11: {  	s14 =	sadd.s32 $0x5B400, s14;
	s16 =	smax.u32 s16, $0x1;
	s19 =	sshrl.u32 @!p1 s19, $0x3  }
.LBB2_7:
0x12: {  	s24 =	sshra.s32 s24, $0x2;
	[sflag:s20] =	ssyncadd.s32 $0xFFFFC000  }
0x13: {  	[tilespmem:s23], [sflag:$0x1] =	stream.indirect.gather [hbm4b:s5+s22], $0x80, s24, s22, $0xb8;
	[tilespmem:$0x1CC00] =	vst v63  }
0x14: {  	_ =	swait.ge [sflag:s20], $0x4000  }
0x15: {  	[sflag:s20] =	ssyncset.done $0x0  }
0x16: {  	s24 =	sadd.s32 $0x2800, s24;
	[sflag:s20] =	ssyncadd.s32 $0xFFFFC000  }
0x17: {  	[spmem:s3] =	stream.indirect.scatter.add.f32 [tilespmem:s23], [sflag:$0x1], $0x80, s24, s22, $0xb8;
	[tilespmem:$0x1CC00] =	vst v63  }
0x18: {  	_ =	swait.ge [sflag:s20], $0x4000  }
0x19: {  	[sflag:s20] =	ssyncset.done $0x0  }
0x1a: {  	[sflag:s20] =	ssyncadd.s32 $0xFFFFC000  }
0x1b: {  	s24 =	simm.s32 @p1 $0x1FC1;
	[bflag:$0x0] =	sbarrier.arrive $0xFFFF  }
0x1c: {  	[hbm:s15], [sflag:s24] =	dma.local @p1 [spmem:s17], $0x2080  }
0x1d: {  	s24 =	simm.s32 @p1 $0x1  }
0x1e: {  	_ =	swait.ge @p1 [sflag:s24], $0x2080  }
0x1f: {  	[sflag:s24] =	ssyncset.done @p1 $0x0  }
0x20: {  	[sflag:s24] =	ssyncadd.s32 @p1 $0xFFFFDF80;
	s24 =	simm.s32 @!p1 $0x1  }
0x21: {  	[hbm:s14], [sflag:s18] =	dma.local @!p1 [spmem:s19], $0x2780  }
0x22: {  	_ =	swait.ge @!p1 [sflag:s24], $0x2780  }
0x23: {  	[sflag:s24] =	ssyncset.done @!p1 $0x0  }
0x24: {  	[sflag:s24] =	ssyncadd.s32 @!p1 $0xFFFFD880  }
.LBB2_8:
0x25: {  	s4 =	sadd.s32 $0x1, s4  }
0x26: {  	p2 =	sne.s32 s4, s16  }
.Ltmp1:
0x27: {  	_ = 	snop;
	(pc) =	sbr.rel @!p2 .LBB2_9-.Ltmp1, $1  }
0x28: {  	_ =	sdelay $0x3  }
.LBB2_1:
.Ltmp2:
0x29: {  	(pc) =	sbr.rel @!p0 .LBB2_2-.Ltmp2, $1  }
0x2a: {  	_ =	sdelay $0x3  }
0x2b: {  	s24 =	simm.s32 @p1 $0x1FC1  }
0x2c: {  	[spmem:s17], [sflag:s24] =	dma.local @p1 [hbm:s13], $0x2080  }
0x2d: {  	s24 =	simm.s32 @p1 $0x1  }
0x2e: {  	_ =	swait.ge @p1 [sflag:s24], $0x2080  }
0x2f: {  	[sflag:s24] =	ssyncset.done @p1 $0x0  }
0x30: {  	[sflag:s24] =	ssyncadd.s32 @p1 $0xFFFFDF80;
	s24 =	simm.s32 @!p1 $0x1  }
0x31: {  	[spmem:s19], [sflag:s18] =	dma.local @!p1 [hbm:s12], $0x2780  }
0x32: {  	_ =	swait.ge @!p1 [sflag:s24], $0x2780  }
0x33: {  	[sflag:s24] =	ssyncset.done @!p1 $0x0  }
0x34: {  	[sflag:s24] =	ssyncadd.s32 @!p1 $0xFFFFD880  }
0x35: {  	s29 =	simm.s32 $0x0;
	[bflag:$0x0] =	sbarrier.arrive $0xFFFF  }
0x36: {  	[tilespmem:s29], [sflag:$0x1] =	stream.linear.gather [hbm4b:s8+s29], $0x2780, $0x38;
	[tilespmem:$0x1CC00] =	vst v63  }
0x37: {  	_ =	swait.ge [sflag:s20], $0x2780  }
0x38: {  	[sflag:s20] =	ssyncset.done $0x0  }
0x39: {  	[sflag:s20] =	ssyncadd.s32 $0xFFFFD880  }
0x3a: {  	[tilespmem:s21], [sflag:$0x1] =	stream.linear.gather [hbm4b:s9+s29], $0x2780, $0x38;
	[tilespmem:$0x1CC00] =	vst v63  }
0x3b: {  	_ =	swait.ge [sflag:s20], $0x2780  }
0x3c: {  	[sflag:s20] =	ssyncset.done $0x0  }
0x3d: {  	s30 =	simm.s32 $0x0;
	[sflag:s20] =	ssyncadd.s32 $0xFFFFD880  }
0x3e: {  	[tilespmem:s23], [sflag:$0x1] =	stream.indirect.gather [hbm4b:s5+s22], $0x80, s30, s22, $0xb8;
	[tilespmem:$0x1CC00] =	vst v63  }
0x3f: {  	_ =	swait.ge [sflag:s20], $0x4000  }
0x40: {  	[sflag:s20] =	ssyncset.done $0x0  }
0x41: {  	s31 =	simm.s32 $0x2800;
	[sflag:s20] =	ssyncadd.s32 $0xFFFFC000  }
0x42: {  	[spmem:s3] =	stream.indirect.scatter.add.f32 [tilespmem:s23], [sflag:$0x1], $0x80, s31, s22, $0xb8;
	[tilespmem:$0x1CC00] =	vst v63  }
0x43: {  	_ =	swait.ge [sflag:s20], $0x4000  }
0x44: {  	s25 =	simm.s32 $0x400;
	s24 =	simm.s32 $0x200;
	[sflag:s20] =	ssyncset.done $0x0  }
.LBB2_6:
0x45: {  	s26 =	sshra.s32 s24, $0x2  }
0x46: {  	[sflag:s20] =	ssyncadd.s32 $0xFFFFC000;
	s24 =	smov.u32 s25;
	s28 =	sadd.s32 $0x200, s25  }
0x47: {  	[tilespmem:s23], [sflag:$0x1] =	stream.indirect.gather [hbm4b:s5+s22], $0x80, s26, s22, $0xb8;
	[tilespmem:$0x1CC00] =	vst v63  }
0x48: {  	p2 =	sne.s32 s25, $0x9C00;
	_ =	swait.ge [sflag:s20], $0x4000  }
.Ltmp3:
0x49: {  	[sflag:s20] =	ssyncset.done $0x0;
	(pc) =	sbr.rel @p2 .LBB2_6-.Ltmp3, $4  }
0x4a: {  	s25 =	sadd.s32 $0x2800, s26;
	[sflag:s20] =	ssyncadd.s32 $0xFFFFC000  }
0x4b: {  	[spmem:s3] =	stream.indirect.scatter.add.f32 [tilespmem:s23], [sflag:$0x1], $0x80, s25, s22, $0xb8;
	[tilespmem:$0x1CC00] =	vst v63  }
0x4c: {  	_ =	swait.ge [sflag:s20], $0x4000  }
0x4d: {  	s25 =	smov.u32 s28;
	[sflag:s20] =	ssyncset.done $0x0  }
.Ltmp4:
0x4e: {  	_ = 	snop;
	(pc) =	sbr.rel .LBB2_7-.Ltmp4, $1  }
0x4f: {  	_ =	sdelay $0x3  }
.LBB2_2:
0x50: {  	s24 =	simm.s32 @p1 $0x1FC1  }
0x51: {  	[spmem:s17], [sflag:s24] =	dma.local @p1 [hbm:s7], $0x2080  }
0x52: {  	s24 =	simm.s32 @p1 $0x1  }
0x53: {  	_ =	swait.ge @p1 [sflag:s24], $0x2080  }
0x54: {  	[sflag:s24] =	ssyncset.done @p1 $0x0  }
0x55: {  	[sflag:s24] =	ssyncadd.s32 @p1 $0xFFFFDF80;
	s24 =	simm.s32 @!p1 $0x1  }
0x56: {  	[spmem:s19], [sflag:s18] =	dma.local @!p1 [hbm:s6], $0x2780  }
0x57: {  	_ =	swait.ge @!p1 [sflag:s24], $0x2780  }
0x58: {  	[sflag:s24] =	ssyncset.done @!p1 $0x0  }
0x59: {  	[sflag:s24] =	ssyncadd.s32 @!p1 $0xFFFFD880  }
0x5a: {  	s29 =	simm.s32 $0x0;
	[bflag:$0x0] =	sbarrier.arrive $0xFFFF  }
0x5b: {  	[tilespmem:s29], [sflag:$0x1] =	stream.linear.gather [hbm4b:s8+s29], $0x2780, $0x38;
	[tilespmem:$0x1CC00] =	vst v63  }
0x5c: {  	_ =	swait.ge [sflag:s20], $0x2780  }
0x5d: {  	[sflag:s20] =	ssyncset.done $0x0  }
0x5e: {  	[sflag:s20] =	ssyncadd.s32 $0xFFFFD880  }
0x5f: {  	[tilespmem:s21], [sflag:$0x1] =	stream.linear.gather [hbm4b:s9+s29], $0x2780, $0x38;
	[tilespmem:$0x1CC00] =	vst v63  }
0x60: {  	_ =	swait.ge [sflag:s20], $0x2780  }
0x61: {  	[sflag:s20] =	ssyncset.done $0x0  }
0x62: {  	s30 =	simm.s32 $0x0;
	[sflag:s20] =	ssyncadd.s32 $0xFFFFD880  }
0x63: {  	[tilespmem:s23], [sflag:$0x1] =	stream.indirect.gather [hbm4b:s1+s22], $0x80, s30, s22, $0xb8;
	[tilespmem:$0x1CC00] =	vst v63  }
0x64: {  	_ =	swait.ge [sflag:s20], $0x4000  }
0x65: {  	[sflag:s20] =	ssyncset.done $0x0  }
0x66: {  	s31 =	simm.s32 $0x2800;
	[sflag:s20] =	ssyncadd.s32 $0xFFFFC000  }
0x67: {  	[spmem:s3] =	stream.indirect.scatter.add.f32 [tilespmem:s23], [sflag:$0x1], $0x80, s31, s22, $0xb8;
	[tilespmem:$0x1CC00] =	vst v63  }
0x68: {  	_ =	swait.ge [sflag:s20], $0x4000  }
0x69: {  	s25 =	simm.s32 $0x400;
	s24 =	simm.s32 $0x200;
	[sflag:s20] =	ssyncset.done $0x0  }
.LBB2_3:
0x6a: {  	s26 =	sshra.s32 s24, $0x2  }
0x6b: {  	[sflag:s20] =	ssyncadd.s32 $0xFFFFC000;
	s24 =	smov.u32 s25;
	s28 =	sadd.s32 $0x200, s25  }
0x6c: {  	[tilespmem:s23], [sflag:$0x1] =	stream.indirect.gather [hbm4b:s1+s22], $0x80, s26, s22, $0xb8;
	[tilespmem:$0x1CC00] =	vst v63  }
0x6d: {  	p2 =	sne.s32 s25, $0x9C00;
	_ =	swait.ge [sflag:s20], $0x4000  }
.Ltmp5:
0x6e: {  	[sflag:s20] =	ssyncset.done $0x0;
	(pc) =	sbr.rel @p2 .LBB2_3-.Ltmp5, $4  }
0x6f: {  	s25 =	sadd.s32 $0x2800, s26;
	[sflag:s20] =	ssyncadd.s32 $0xFFFFC000  }
0x70: {  	[spmem:s3] =	stream.indirect.scatter.add.f32 [tilespmem:s23], [sflag:$0x1], $0x80, s25, s22, $0xb8;
	[tilespmem:$0x1CC00] =	vst v63  }
0x71: {  	_ =	swait.ge [sflag:s20], $0x4000  }
0x72: {  	s25 =	smov.u32 s28;
	[sflag:s20] =	ssyncset.done $0x0  }
0x73: {  	s24 =	sshra.s32 s24, $0x2;
	[sflag:s20] =	ssyncadd.s32 $0xFFFFC000  }
0x74: {  	[tilespmem:s23], [sflag:$0x1] =	stream.indirect.gather [hbm4b:s1+s22], $0x80, s24, s22, $0xb8;
	[tilespmem:$0x1CC00] =	vst v63  }
0x75: {  	_ =	swait.ge [sflag:s20], $0x4000  }
0x76: {  	[sflag:s20] =	ssyncset.done $0x0  }
0x77: {  	s24 =	sadd.s32 $0x2800, s24;
	[sflag:s20] =	ssyncadd.s32 $0xFFFFC000  }
0x78: {  	[spmem:s3] =	stream.indirect.scatter.add.f32 [tilespmem:s23], [sflag:$0x1], $0x80, s24, s22, $0xb8;
	[tilespmem:$0x1CC00] =	vst v63  }
0x79: {  	_ =	swait.ge [sflag:s20], $0x4000  }
0x7a: {  	[sflag:s20] =	ssyncset.done $0x0  }
0x7b: {  	[sflag:s20] =	ssyncadd.s32 $0xFFFFC000  }
0x7c: {  	s24 =	simm.s32 @p1 $0x1FC1;
	[bflag:$0x0] =	sbarrier.arrive $0xFFFF  }
0x7d: {  	[hbm:s11], [sflag:s24] =	dma.local @p1 [spmem:s17], $0x2080  }
0x7e: {  	s24 =	simm.s32 @p1 $0x1  }
0x7f: {  	_ =	swait.ge @p1 [sflag:s24], $0x2080  }
0x80: {  	[sflag:s24] =	ssyncset.done @p1 $0x0  }
.Ltmp6:
0x81: {  	[sflag:s24] =	ssyncadd.s32 @p1 $0xFFFFDF80;
	s24 =	simm.s32 @!p1 $0x1;
	(pc) =	sbr.rel .LBB2_8-.Ltmp6, $4  }
0x82: {  	[hbm:s10], [sflag:s18] =	dma.local @!p1 [spmem:s19], $0x2780  }
0x83: {  	_ =	swait.ge @!p1 [sflag:s24], $0x2780  }
0x84: {  	[sflag:s24] =	ssyncset.done @!p1 $0x0  }
0x85: {  	[sflag:s24] =	ssyncadd.s32 @!p1 $0xFFFFD880  }
.LBB2_9:
0x86: {  	_ =	sfence.sel $0x180000  }
0x87: {  	[bflag:$0x0] =	sbarrier.arrive $0xFFFF  }
0x88: {  	p0 =	sne.s32 s2, $0x0;
	_ =	strace $0x9000004A  }
0x89: {  	s0 =	sadd.s32 @!p0 $0x100000, s0;
	[bflag:$0x2] =	sbarrier.arrive $0xFFFF  }
0x8a: {  	[sflag:s0] =	ssyncadd.tile.s32 @!p0 $0x1;
	_ =	shalt  }
.Lfunc_end2:
_tile_overlayer_lowered:
.L_overlay_start_2:
0x8b: {  	(tag) =	ssettag $0x2  }
0x8c: {  	s0 =	rddreg [dreg:$0x0];
	s2 =	stileid.u32  }
0x8d: {  	s1 =	rddreg [dreg:$0x1];
	p0 =	sne.s32 s2, $0x0  }
0x8e: {  	s3 =	rddreg [dreg:$0x2];
	[bflag:$0x3] =	sbarrier.arrive $0xFFFF;
	s2 =	simm.s32 @!p0 $0x1C01  }
0x8f: {  	[timem:s3], [sflag:s2] =	dma.local @!p0 [hbm:s0], s1  }
0x90: {  	s0 =	simm.s32 @!p0 $0x1  }
0x91: {  	_ =	swait.ge @!p0 [sflag:s0], s1  }
0x92: {  	s1 =	ssub.s32 @!p0 $0x0, s1;
	[sflag:s0] =	ssyncset.done @!p0 $0x0  }
0x93: {  	[sflag:s0] =	ssyncadd.s32 @!p0 s1  }
0x94: {  	[bflag:$0x3] =	sbarrier.arrive $0xFFFF  }
0x95: {  	_ =	shalt  }

</sc_bundles>
